<compile_context>
chip_gen: v7x
topology: tpu7x:2x2x1
jax: 0.10.2.dev20260603
libtpu: 0.0.44.dev20260713+nightly
codegen_flags: <defaults>
</compile_context>

<pallas_src>
import jax
import jax.numpy as jnp
from jax import lax
from jax.experimental import pallas as pl
from jax.experimental.pallas import tpu as pltpu
from jax.experimental.pallas import tpu_sc as plsc

NUM_WORKERS = 32
BPW = 128
NCB = 8
D_PAD = NCB * 128


def _make_sc_gather(b, t, d):
    d_tail = d - (NCB - 1) * 128
    mesh = plsc.VectorSubcoreMesh(core_axis_name="c", subcore_axis_name="s")

    @pl.kernel(
        mesh=mesh,
        out_type=jax.ShapeDtypeStruct((b, t, d), jnp.float32),
        scratch_types=[
            pltpu.VMEM((t, NCB, BPW), jnp.int32),
            pltpu.VMEM((BPW, 128), jnp.float32),
            pltpu.VMEM((BPW, 128), jnp.float32),
            pltpu.VMEM((BPW, d_tail), jnp.float32),
            pltpu.VMEM((BPW, d_tail), jnp.float32),
            pltpu.SemaphoreType.DMA,
            pltpu.SemaphoreType.DMA,
            pltpu.SemaphoreType.DMA,
            pltpu.SemaphoreType.DMA,
            pltpu.SemaphoreType.DMA,
            pltpu.SemaphoreType.DMA,
        ],
    )
    def sc_gather(t8_hbm, idx_hbm, out_hbm, idx_v, pa, pb, buf7a, buf7b,
                  sem_ga, sem_gb, sem_wa, sem_wb, sem_7a, sem_7b):
        wid = lax.axis_index("s") * 2 + lax.axis_index("c")
        bb = wid * BPW
        pltpu.sync_copy(idx_hbm.at[wid], idx_v)

        def gather(tt, c, buf, sem):
            return pltpu.make_async_copy(t8_hbm.at[idx_v.at[tt, c]], buf, sem)

        def write(tt, c, buf, sem):
            return pltpu.make_async_copy(
                buf, out_hbm.at[pl.ds(bb, BPW), tt, pl.ds(c * 128, 128)], sem)

        def write7(tt, bf, sem):
            return pltpu.make_async_copy(
                bf, out_hbm.at[pl.ds(bb, BPW), tt, pl.ds((NCB - 1) * 128,
                                                         d_tail)], sem)

        def tail(tt, bf, sem):
            @pl.when(tt >= 2)
            def _():
                write7(tt - 2, bf, sem).wait()

            def row_copy(r, carry):
                for kk in range(d_tail // 16):
                    bf[r, pl.ds(kk * 16, 16)] = pb[r, pl.ds(kk * 16, 16)]
                bf[r, pl.ds(d_tail - 16, 16)] = pb[r, pl.ds(d_tail - 16, 16)]
                return carry
            lax.fori_loop(0, BPW, row_copy, 0)
            write7(tt, bf, sem).start()

        gather(0, 0, pa, sem_ga).start()
        bufs = [(pa, sem_ga, sem_wa), (pb, sem_gb, sem_wb)]

        def body(tt, carry):
            for c in range(NCB):
                cur, sg, sw = bufs[c % 2]
                oth, sgo, swo = bufs[1 - c % 2]
                gather(tt, c, cur, sg).wait()
                if c < NCB - 1:
                    write(tt, c, cur, sw).start()
                if c >= 1:
                    write(tt, c - 1, oth, swo).wait()
                if c < NCB - 1:
                    gather(tt, c + 1, oth, sgo).start()
                else:
                    @pl.when(tt < t - 1)
                    def _():
                        gather(tt + 1, 0, pa, sem_ga).start()

                    @pl.when(tt % 2 == 0)
                    def _():
                        tail(tt, buf7a, sem_7a)

                    @pl.when(tt % 2 == 1)
                    def _():
                        tail(tt, buf7b, sem_7b)
            return carry

        lax.fori_loop(0, t, body, 0)
        b7 = [buf7a, buf7b]
        s7 = [sem_7a, sem_7b]
        write7(t - 2, b7[(t - 2) % 2], s7[(t - 2) % 2]).wait()
        write7(t - 1, b7[(t - 1) % 2], s7[(t - 1) % 2]).wait()

    return sc_gather


def kernel(x, embedding):
    b, t = x.shape
    v, d = embedding.shape
    t8 = jnp.pad(embedding, ((0, 0), (0, D_PAD - d))).reshape(v * NCB, 128)
    xr = x.astype(jnp.int32).reshape(NUM_WORKERS, BPW, t).transpose(0, 2, 1)
    gidx = (xr[:, :, None, :] * NCB
            + jnp.arange(NCB, dtype=jnp.int32)[None, None, :, None])
    return _make_sc_gather(b, t, d)(t8, gidx)

# --- scband reference (transcript-rebuilt; emitter-appended) ---
"""Pipeline reference for scband-chess-bigram-73151882986230 (READ-ONLY COPY).

The authoritative reference and input builder live on the scoring server;
editing this copy changes nothing except your own understanding.
"""

import jax, jax.numpy as jnp
import numpy as np

VOCAB = 1000
B, T = 4096, 20


def setup_inputs(seed: int = 0) -> dict:
    key = jax.random.key(seed)
    k_idx, k_emb = jax.random.split(key)
    x = jax.random.randint(k_idx, (B, T), 0, VOCAB)
    embedding = jax.random.normal(k_emb, (VOCAB, VOCAB), dtype=jnp.float32)
    return {"x": x, "embedding": embedding}


def reference(x, embedding):
    # ChessBigram.forward: logits = self._embedding(x) -> gather rows of [V, V] table
    return jnp.take(embedding, x, axis=0)

if __name__ == "__main__":
    import jax
    _d = setup_inputs()
    print(jax.jit(kernel)(*tuple(_d.values())))

</pallas_src>

<mosaic_0001>
#map = affine_map<(d0, d1) -> (0, 0)>
#map1 = affine_map<(d0, d1) -> (0, 0, 0, 0)>
#map2 = affine_map<(d0, d1) -> (0, 0, 0)>
module attributes {stable_mosaic.version = 14 : i64} {
  func.func @sc_gather(%arg0: i32, %arg1: i32, %arg2: memref<8000x128xf32, #tpu.memory_space<hbm>>, %arg3: memref<32x20x8x128xi32, #tpu.memory_space<hbm>>, %arg4: memref<4096x20x1000xf32, #tpu.memory_space<hbm>>, %arg5: memref<20x8x128xi32, #tpu.memory_space<vmem>>, %arg6: memref<128x128xf32, #tpu.memory_space<vmem>>, %arg7: memref<128x128xf32, #tpu.memory_space<vmem>>, %arg8: memref<128x104xf32, #tpu.memory_space<vmem>>, %arg9: memref<128x104xf32, #tpu.memory_space<vmem>>, %arg10: memref<!tpu.dma_semaphore, #tpu.memory_space<semaphore_mem>>, %arg11: memref<!tpu.dma_semaphore, #tpu.memory_space<semaphore_mem>>, %arg12: memref<!tpu.dma_semaphore, #tpu.memory_space<semaphore_mem>>, %arg13: memref<!tpu.dma_semaphore, #tpu.memory_space<semaphore_mem>>, %arg14: memref<!tpu.dma_semaphore, #tpu.memory_space<semaphore_mem>>, %arg15: memref<!tpu.dma_semaphore, #tpu.memory_space<semaphore_mem>>) attributes {dimension_semantics = [#tpu.dimension_semantics<core_parallel>, #tpu.dimension_semantics<subcore_parallel>], iteration_bounds = array<i64: 2, 16>, scalar_prefetch = 0 : i64, scratch_operands = 11 : i64, tpu.core_type = #tpu.core_type<sc_vector_subcore>, window_params = [{transform_indices = #map}, {transform_indices = #map1}, {transform_indices = #map2}]} {
    %mul3A = arith.constant 2 : i32
    %mul3A_0 = arith.muli %arg1, %mul3A : i32
    %add3A = arith.addi %mul3A_0, %arg0 : i32
    %mul3A_1 = arith.constant 128 : i32
    %mul3A_2 = arith.muli %add3A, %mul3A_1 : i32
    "tpu.region"() ({
      %run_scoped3A = tpu.sem_alloc : memref<!tpu.dma_semaphore, #tpu.memory_space<semaphore_mem>>
      %dma_start3A_28 = arith.constant 0 : i32
      %dma_start3A_29 = arith.constant 0 : i32
      %dma_start3A_30 = arith.constant 0 : i32
      %dma_start3A_31 = tpu.memref_slice %arg3[%add3A, %dma_start3A_28, %dma_start3A_29, %dma_start3A_30] : memref<32x20x8x128xi32, #tpu.memory_space<hbm>> -> memref<1x20x8x128xi32, #tpu.memory_space<hbm>>
      %dma_start3A_32 = tpu.memref_squeeze %dma_start3A_31 : memref<1x20x8x128xi32, #tpu.memory_space<hbm>> -> memref<20x8x128xi32, #tpu.memory_space<hbm>>
      %dma_start3A_33 = arith.constant 0 : i32
      %dma_start3A_34 = arith.constant 0 : i32
      %dma_start3A_35 = arith.constant 0 : i32
      %dma_start3A_36 = tpu.memref_slice %arg3[%add3A, %dma_start3A_33, %dma_start3A_34, %dma_start3A_35] : memref<32x20x8x128xi32, #tpu.memory_space<hbm>> -> memref<1x20x8x128xi32, #tpu.memory_space<hbm>>
      %dma_start3A_37 = tpu.memref_squeeze %dma_start3A_36 : memref<1x20x8x128xi32, #tpu.memory_space<hbm>> -> memref<20x8x128xi32, #tpu.memory_space<hbm>>
      tpu.enqueue_dma source(%dma_start3A_37 : memref<20x8x128xi32, #tpu.memory_space<hbm>>) target(%arg5 : memref<20x8x128xi32, #tpu.memory_space<vmem>>) target_semaphore(%run_scoped3A : memref<!tpu.dma_semaphore, #tpu.memory_space<semaphore_mem>>)
      %dma_wait3A_38 = arith.constant 0 : i32
      %dma_wait3A_39 = arith.constant 0 : i32
      %dma_wait3A_40 = arith.constant 0 : i32
      %dma_wait3A_41 = tpu.memref_slice %arg3[%add3A, %dma_wait3A_38, %dma_wait3A_39, %dma_wait3A_40] : memref<32x20x8x128xi32, #tpu.memory_space<hbm>> -> memref<1x20x8x128xi32, #tpu.memory_space<hbm>>
      %dma_wait3A_42 = tpu.memref_squeeze %dma_wait3A_41 : memref<1x20x8x128xi32, #tpu.memory_space<hbm>> -> memref<20x8x128xi32, #tpu.memory_space<hbm>>
      %dma_wait3A_43 = arith.constant 0 : i32
      %dma_wait3A_44 = arith.constant 0 : i32
      %dma_wait3A_45 = arith.constant 0 : i32
      %dma_wait3A_46 = tpu.memref_slice %arg3[%add3A, %dma_wait3A_43, %dma_wait3A_44, %dma_wait3A_45] : memref<32x20x8x128xi32, #tpu.memory_space<hbm>> -> memref<1x20x8x128xi32, #tpu.memory_space<hbm>>
      %dma_wait3A_47 = tpu.memref_squeeze %dma_wait3A_46 : memref<1x20x8x128xi32, #tpu.memory_space<hbm>> -> memref<20x8x128xi32, #tpu.memory_space<hbm>>
      tpu.wait_dma2 semaphore(%run_scoped3A : memref<!tpu.dma_semaphore, #tpu.memory_space<semaphore_mem>>) src(%dma_wait3A_47 : memref<20x8x128xi32, #tpu.memory_space<hbm>>) dst(%arg5 : memref<20x8x128xi32, #tpu.memory_space<vmem>>)
      tpu.yield
    }) : () -> ()
    %dma_start3A = arith.constant 0 : i32
    %dma_start3A_3 = arith.constant 0 : i32
    %dma_start3A_4 = arith.constant 0 : i32
    %dma_start3A_5 = tpu.memref_slice %arg5[%dma_start3A, %dma_start3A_3, %dma_start3A_4] : memref<20x8x128xi32, #tpu.memory_space<vmem>> -> memref<1x1x128xi32, #tpu.memory_space<vmem>>
    %dma_start3A_6 = tpu.memref_squeeze %dma_start3A_5 : memref<1x1x128xi32, #tpu.memory_space<vmem>> -> memref<128xi32, #tpu.memory_space<vmem>>
    %dma_start3A_7 = arith.constant 0 : i32
    %dma_start3A_8 = arith.constant 0 : i32
    %dma_start3A_9 = tpu.memref_slice %arg2[%dma_start3A_7, %dma_start3A_8] : memref<8000x128xf32, #tpu.memory_space<hbm>> -> memref<8000x128xf32, #tpu.memory_space<hbm>>
    tpu.enqueue_indirect_dma source(%dma_start3A_9 : memref<8000x128xf32, #tpu.memory_space<hbm>>) target(%arg6 : memref<128x128xf32, #tpu.memory_space<vmem>>) offsets(%dma_start3A_6 : memref<128xi32, #tpu.memory_space<vmem>>) semaphore(%arg10 : memref<!tpu.dma_semaphore, #tpu.memory_space<semaphore_mem>>)
    %scan3A = arith.constant 0 : i32
    %scan3A_10 = arith.constant 0 : i32
    %scan3A_11 = arith.constant 20 : i32
    %scan3A_12 = arith.addi %scan3A_10, %scan3A_11 : i32
    %scan3A_13 = arith.constant 1 : i32
    scf.for %scan3A_28 = %scan3A_10 to %scan3A_12 step %scan3A_13  : i32 {
      %dma_wait3A_29 = arith.constant 0 : i32
      %dma_wait3A_30 = arith.constant 0 : i32
      %dma_wait3A_31 = tpu.memref_slice %arg5[%scan3A_28, %dma_wait3A_29, %dma_wait3A_30] : memref<20x8x128xi32, #tpu.memory_space<vmem>> -> memref<1x1x128xi32, #tpu.memory_space<vmem>>
      %dma_wait3A_32 = tpu.memref_squeeze %dma_wait3A_31 : memref<1x1x128xi32, #tpu.memory_space<vmem>> -> memref<128xi32, #tpu.memory_space<vmem>>
      %dma_wait3A_33 = arith.constant 0 : i32
      %dma_wait3A_34 = arith.constant 0 : i32
      %dma_wait3A_35 = tpu.memref_slice %arg2[%dma_wait3A_33, %dma_wait3A_34] : memref<8000x128xf32, #tpu.memory_space<hbm>> -> memref<8000x128xf32, #tpu.memory_space<hbm>>
      tpu.wait_indirect_dma semaphore(%arg10 : memref<!tpu.dma_semaphore, #tpu.memory_space<semaphore_mem>>) src(%dma_wait3A_35 : memref<8000x128xf32, #tpu.memory_space<hbm>>) dst(%arg6 : memref<128x128xf32, #tpu.memory_space<vmem>>)
      %dma_start3A_36 = arith.constant 0 : i32
      %dma_start3A_37 = tpu.memref_slice %arg4[%mul3A_2, %scan3A_28, %dma_start3A_36] : memref<4096x20x1000xf32, #tpu.memory_space<hbm>> -> memref<128x1x128xf32, #tpu.memory_space<hbm>>
      %dma_start3A_38 = tpu.memref_squeeze %dma_start3A_37 : memref<128x1x128xf32, #tpu.memory_space<hbm>> -> memref<128x128xf32, #tpu.memory_space<hbm>>
      %dma_start3A_39 = arith.constant 0 : i32
      %dma_start3A_40 = tpu.memref_slice %arg4[%mul3A_2, %scan3A_28, %dma_start3A_39] : memref<4096x20x1000xf32, #tpu.memory_space<hbm>> -> memref<128x1x128xf32, #tpu.memory_space<hbm>>
      %dma_start3A_41 = tpu.memref_squeeze %dma_start3A_40 : memref<128x1x128xf32, #tpu.memory_space<hbm>> -> memref<128x128xf32, #tpu.memory_space<hbm>>
      tpu.enqueue_dma source(%arg6 : memref<128x128xf32, #tpu.memory_space<vmem>>) target(%dma_start3A_41 : memref<128x128xf32, #tpu.memory_space<hbm>>) target_semaphore(%arg12 : memref<!tpu.dma_semaphore, #tpu.memory_space<semaphore_mem>>)
      %dma_start3A_42 = arith.constant 1 : i32
      %dma_start3A_43 = arith.constant 0 : i32
      %dma_start3A_44 = tpu.memref_slice %arg5[%scan3A_28, %dma_start3A_42, %dma_start3A_43] : memref<20x8x128xi32, #tpu.memory_space<vmem>> -> memref<1x1x128xi32, #tpu.memory_space<vmem>>
      %dma_start3A_45 = tpu.memref_squeeze %dma_start3A_44 : memref<1x1x128xi32, #tpu.memory_space<vmem>> -> memref<128xi32, #tpu.memory_space<vmem>>
      %dma_start3A_46 = arith.constant 0 : i32
      %dma_start3A_47 = arith.constant 0 : i32
      %dma_start3A_48 = tpu.memref_slice %arg2[%dma_start3A_46, %dma_start3A_47] : memref<8000x128xf32, #tpu.memory_space<hbm>> -> memref<8000x128xf32, #tpu.memory_space<hbm>>
      tpu.enqueue_indirect_dma source(%dma_start3A_48 : memref<8000x128xf32, #tpu.memory_space<hbm>>) target(%arg7 : memref<128x128xf32, #tpu.memory_space<vmem>>) offsets(%dma_start3A_45 : memref<128xi32, #tpu.memory_space<vmem>>) semaphore(%arg11 : memref<!tpu.dma_semaphore, #tpu.memory_space<semaphore_mem>>)
      %dma_wait3A_49 = arith.constant 1 : i32
      %dma_wait3A_50 = arith.constant 0 : i32
      %dma_wait3A_51 = tpu.memref_slice %arg5[%scan3A_28, %dma_wait3A_49, %dma_wait3A_50] : memref<20x8x128xi32, #tpu.memory_space<vmem>> -> memref<1x1x128xi32, #tpu.memory_space<vmem>>
      %dma_wait3A_52 = tpu.memref_squeeze %dma_wait3A_51 : memref<1x1x128xi32, #tpu.memory_space<vmem>> -> memref<128xi32, #tpu.memory_space<vmem>>
      %dma_wait3A_53 = arith.constant 0 : i32
      %dma_wait3A_54 = arith.constant 0 : i32
      %dma_wait3A_55 = tpu.memref_slice %arg2[%dma_wait3A_53, %dma_wait3A_54] : memref<8000x128xf32, #tpu.memory_space<hbm>> -> memref<8000x128xf32, #tpu.memory_space<hbm>>
      tpu.wait_indirect_dma semaphore(%arg11 : memref<!tpu.dma_semaphore, #tpu.memory_space<semaphore_mem>>) src(%dma_wait3A_55 : memref<8000x128xf32, #tpu.memory_space<hbm>>) dst(%arg7 : memref<128x128xf32, #tpu.memory_space<vmem>>)
      %dma_start3A_56 = arith.constant 128 : i32
      %dma_start3A_57 = tpu.memref_slice %arg4[%mul3A_2, %scan3A_28, %dma_start3A_56] : memref<4096x20x1000xf32, #tpu.memory_space<hbm>> -> memref<128x1x128xf32, #tpu.memory_space<hbm>>
      %dma_start3A_58 = tpu.memref_squeeze %dma_start3A_57 : memref<128x1x128xf32, #tpu.memory_space<hbm>> -> memref<128x128xf32, #tpu.memory_space<hbm>>
      %dma_start3A_59 = arith.constant 128 : i32
      %dma_start3A_60 = tpu.memref_slice %arg4[%mul3A_2, %scan3A_28, %dma_start3A_59] : memref<4096x20x1000xf32, #tpu.memory_space<hbm>> -> memref<128x1x128xf32, #tpu.memory_space<hbm>>
      %dma_start3A_61 = tpu.memref_squeeze %dma_start3A_60 : memref<128x1x128xf32, #tpu.memory_space<hbm>> -> memref<128x128xf32, #tpu.memory_space<hbm>>
      tpu.enqueue_dma source(%arg7 : memref<128x128xf32, #tpu.memory_space<vmem>>) target(%dma_start3A_61 : memref<128x128xf32, #tpu.memory_space<hbm>>) target_semaphore(%arg13 : memref<!tpu.dma_semaphore, #tpu.memory_space<semaphore_mem>>)
      %dma_wait3A_62 = arith.constant 0 : i32
      %dma_wait3A_63 = tpu.memref_slice %arg4[%mul3A_2, %scan3A_28, %dma_wait3A_62] : memref<4096x20x1000xf32, #tpu.memory_space<hbm>> -> memref<128x1x128xf32, #tpu.memory_space<hbm>>
      %dma_wait3A_64 = tpu.memref_squeeze %dma_wait3A_63 : memref<128x1x128xf32, #tpu.memory_space<hbm>> -> memref<128x128xf32, #tpu.memory_space<hbm>>
      %dma_wait3A_65 = arith.constant 0 : i32
      %dma_wait3A_66 = tpu.memref_slice %arg4[%mul3A_2, %scan3A_28, %dma_wait3A_65] : memref<4096x20x1000xf32, #tpu.memory_space<hbm>> -> memref<128x1x128xf32, #tpu.memory_space<hbm>>
      %dma_wait3A_67 = tpu.memref_squeeze %dma_wait3A_66 : memref<128x1x128xf32, #tpu.memory_space<hbm>> -> memref<128x128xf32, #tpu.memory_space<hbm>>
      tpu.wait_dma2 semaphore(%arg12 : memref<!tpu.dma_semaphore, #tpu.memory_space<semaphore_mem>>) src(%arg6 : memref<128x128xf32, #tpu.memory_space<vmem>>) dst(%dma_wait3A_67 : memref<128x128xf32, #tpu.memory_space<hbm>>)
      %dma_start3A_68 = arith.constant 2 : i32
      %dma_start3A_69 = arith.constant 0 : i32
      %dma_start3A_70 = tpu.memref_slice %arg5[%scan3A_28, %dma_start3A_68, %dma_start3A_69] : memref<20x8x128xi32, #tpu.memory_space<vmem>> -> memref<1x1x128xi32, #tpu.memory_space<vmem>>
      %dma_start3A_71 = tpu.memref_squeeze %dma_start3A_70 : memref<1x1x128xi32, #tpu.memory_space<vmem>> -> memref<128xi32, #tpu.memory_space<vmem>>
      %dma_start3A_72 = arith.constant 0 : i32
      %dma_start3A_73 = arith.constant 0 : i32
      %dma_start3A_74 = tpu.memref_slice %arg2[%dma_start3A_72, %dma_start3A_73] : memref<8000x128xf32, #tpu.memory_space<hbm>> -> memref<8000x128xf32, #tpu.memory_space<hbm>>
      tpu.enqueue_indirect_dma source(%dma_start3A_74 : memref<8000x128xf32, #tpu.memory_space<hbm>>) target(%arg6 : memref<128x128xf32, #tpu.memory_space<vmem>>) offsets(%dma_start3A_71 : memref<128xi32, #tpu.memory_space<vmem>>) semaphore(%arg10 : memref<!tpu.dma_semaphore, #tpu.memory_space<semaphore_mem>>)
      %dma_wait3A_75 = arith.constant 2 : i32
      %dma_wait3A_76 = arith.constant 0 : i32
      %dma_wait3A_77 = tpu.memref_slice %arg5[%scan3A_28, %dma_wait3A_75, %dma_wait3A_76] : memref<20x8x128xi32, #tpu.memory_space<vmem>> -> memref<1x1x128xi32, #tpu.memory_space<vmem>>
      %dma_wait3A_78 = tpu.memref_squeeze %dma_wait3A_77 : memref<1x1x128xi32, #tpu.memory_space<vmem>> -> memref<128xi32, #tpu.memory_space<vmem>>
      %dma_wait3A_79 = arith.constant 0 : i32
      %dma_wait3A_80 = arith.constant 0 : i32
      %dma_wait3A_81 = tpu.memref_slice %arg2[%dma_wait3A_79, %dma_wait3A_80] : memref<8000x128xf32, #tpu.memory_space<hbm>> -> memref<8000x128xf32, #tpu.memory_space<hbm>>
      tpu.wait_indirect_dma semaphore(%arg10 : memref<!tpu.dma_semaphore, #tpu.memory_space<semaphore_mem>>) src(%dma_wait3A_81 : memref<8000x128xf32, #tpu.memory_space<hbm>>) dst(%arg6 : memref<128x128xf32, #tpu.memory_space<vmem>>)
      %dma_start3A_82 = arith.constant 256 : i32
      %dma_start3A_83 = tpu.memref_slice %arg4[%mul3A_2, %scan3A_28, %dma_start3A_82] : memref<4096x20x1000xf32, #tpu.memory_space<hbm>> -> memref<128x1x128xf32, #tpu.memory_space<hbm>>
      %dma_start3A_84 = tpu.memref_squeeze %dma_start3A_83 : memref<128x1x128xf32, #tpu.memory_space<hbm>> -> memref<128x128xf32, #tpu.memory_space<hbm>>
      %dma_start3A_85 = arith.constant 256 : i32
      %dma_start3A_86 = tpu.memref_slice %arg4[%mul3A_2, %scan3A_28, %dma_start3A_85] : memref<4096x20x1000xf32, #tpu.memory_space<hbm>> -> memref<128x1x128xf32, #tpu.memory_space<hbm>>
      %dma_start3A_87 = tpu.memref_squeeze %dma_start3A_86 : memref<128x1x128xf32, #tpu.memory_space<hbm>> -> memref<128x128xf32, #tpu.memory_space<hbm>>
      tpu.enqueue_dma source(%arg6 : memref<128x128xf32, #tpu.memory_space<vmem>>) target(%dma_start3A_87 : memref<128x128xf32, #tpu.memory_space<hbm>>) target_semaphore(%arg12 : memref<!tpu.dma_semaphore, #tpu.memory_space<semaphore_mem>>)
      %dma_wait3A_88 = arith.constant 128 : i32
      %dma_wait3A_89 = tpu.memref_slice %arg4[%mul3A_2, %scan3A_28, %dma_wait3A_88] : memref<4096x20x1000xf32, #tpu.memory_space<hbm>> -> memref<128x1x128xf32, #tpu.memory_space<hbm>>
      %dma_wait3A_90 = tpu.memref_squeeze %dma_wait3A_89 : memref<128x1x128xf32, #tpu.memory_space<hbm>> -> memref<128x128xf32, #tpu.memory_space<hbm>>
      %dma_wait3A_91 = arith.constant 128 : i32
      %dma_wait3A_92 = tpu.memref_slice %arg4[%mul3A_2, %scan3A_28, %dma_wait3A_91] : memref<4096x20x1000xf32, #tpu.memory_space<hbm>> -> memref<128x1x128xf32, #tpu.memory_space<hbm>>
      %dma_wait3A_93 = tpu.memref_squeeze %dma_wait3A_92 : memref<128x1x128xf32, #tpu.memory_space<hbm>> -> memref<128x128xf32, #tpu.memory_space<hbm>>
      tpu.wait_dma2 semaphore(%arg13 : memref<!tpu.dma_semaphore, #tpu.memory_space<semaphore_mem>>) src(%arg7 : memref<128x128xf32, #tpu.memory_space<vmem>>) dst(%dma_wait3A_93 : memref<128x128xf32, #tpu.memory_space<hbm>>)
      %dma_start3A_94 = arith.constant 3 : i32
      %dma_start3A_95 = arith.constant 0 : i32
      %dma_start3A_96 = tpu.memref_slice %arg5[%scan3A_28, %dma_start3A_94, %dma_start3A_95] : memref<20x8x128xi32, #tpu.memory_space<vmem>> -> memref<1x1x128xi32, #tpu.memory_space<vmem>>
      %dma_start3A_97 = tpu.memref_squeeze %dma_start3A_96 : memref<1x1x128xi32, #tpu.memory_space<vmem>> -> memref<128xi32, #tpu.memory_space<vmem>>
      %dma_start3A_98 = arith.constant 0 : i32
      %dma_start3A_99 = arith.constant 0 : i32
      %dma_start3A_100 = tpu.memref_slice %arg2[%dma_start3A_98, %dma_start3A_99] : memref<8000x128xf32, #tpu.memory_space<hbm>> -> memref<8000x128xf32, #tpu.memory_space<hbm>>
      tpu.enqueue_indirect_dma source(%dma_start3A_100 : memref<8000x128xf32, #tpu.memory_space<hbm>>) target(%arg7 : memref<128x128xf32, #tpu.memory_space<vmem>>) offsets(%dma_start3A_97 : memref<128xi32, #tpu.memory_space<vmem>>) semaphore(%arg11 : memref<!tpu.dma_semaphore, #tpu.memory_space<semaphore_mem>>)
      %dma_wait3A_101 = arith.constant 3 : i32
      %dma_wait3A_102 = arith.constant 0 : i32
      %dma_wait3A_103 = tpu.memref_slice %arg5[%scan3A_28, %dma_wait3A_101, %dma_wait3A_102] : memref<20x8x128xi32, #tpu.memory_space<vmem>> -> memref<1x1x128xi32, #tpu.memory_space<vmem>>
      %dma_wait3A_104 = tpu.memref_squeeze %dma_wait3A_103 : memref<1x1x128xi32, #tpu.memory_space<vmem>> -> memref<128xi32, #tpu.memory_space<vmem>>
      %dma_wait3A_105 = arith.constant 0 : i32
      %dma_wait3A_106 = arith.constant 0 : i32
      %dma_wait3A_107 = tpu.memref_slice %arg2[%dma_wait3A_105, %dma_wait3A_106] : memref<8000x128xf32, #tpu.memory_space<hbm>> -> memref<8000x128xf32, #tpu.memory_space<hbm>>
      tpu.wait_indirect_dma semaphore(%arg11 : memref<!tpu.dma_semaphore, #tpu.memory_space<semaphore_mem>>) src(%dma_wait3A_107 : memref<8000x128xf32, #tpu.memory_space<hbm>>) dst(%arg7 : memref<128x128xf32, #tpu.memory_space<vmem>>)
      %dma_start3A_108 = arith.constant 384 : i32
      %dma_start3A_109 = tpu.memref_slice %arg4[%mul3A_2, %scan3A_28, %dma_start3A_108] : memref<4096x20x1000xf32, #tpu.memory_space<hbm>> -> memref<128x1x128xf32, #tpu.memory_space<hbm>>
      %dma_start3A_110 = tpu.memref_squeeze %dma_start3A_109 : memref<128x1x128xf32, #tpu.memory_space<hbm>> -> memref<128x128xf32, #tpu.memory_space<hbm>>
      %dma_start3A_111 = arith.constant 384 : i32
      %dma_start3A_112 = tpu.memref_slice %arg4[%mul3A_2, %scan3A_28, %dma_start3A_111] : memref<4096x20x1000xf32, #tpu.memory_space<hbm>> -> memref<128x1x128xf32, #tpu.memory_space<hbm>>
      %dma_start3A_113 = tpu.memref_squeeze %dma_start3A_112 : memref<128x1x128xf32, #tpu.memory_space<hbm>> -> memref<128x128xf32, #tpu.memory_space<hbm>>
      tpu.enqueue_dma source(%arg7 : memref<128x128xf32, #tpu.memory_space<vmem>>) target(%dma_start3A_113 : memref<128x128xf32, #tpu.memory_space<hbm>>) target_semaphore(%arg13 : memref<!tpu.dma_semaphore, #tpu.memory_space<semaphore_mem>>)
      %dma_wait3A_114 = arith.constant 256 : i32
      %dma_wait3A_115 = tpu.memref_slice %arg4[%mul3A_2, %scan3A_28, %dma_wait3A_114] : memref<4096x20x1000xf32, #tpu.memory_space<hbm>> -> memref<128x1x128xf32, #tpu.memory_space<hbm>>
      %dma_wait3A_116 = tpu.memref_squeeze %dma_wait3A_115 : memref<128x1x128xf32, #tpu.memory_space<hbm>> -> memref<128x128xf32, #tpu.memory_space<hbm>>
      %dma_wait3A_117 = arith.constant 256 : i32
      %dma_wait3A_118 = tpu.memref_slice %arg4[%mul3A_2, %scan3A_28, %dma_wait3A_117] : memref<4096x20x1000xf32, #tpu.memory_space<hbm>> -> memref<128x1x128xf32, #tpu.memory_space<hbm>>
      %dma_wait3A_119 = tpu.memref_squeeze %dma_wait3A_118 : memref<128x1x128xf32, #tpu.memory_space<hbm>> -> memref<128x128xf32, #tpu.memory_space<hbm>>
      tpu.wait_dma2 semaphore(%arg12 : memref<!tpu.dma_semaphore, #tpu.memory_space<semaphore_mem>>) src(%arg6 : memref<128x128xf32, #tpu.memory_space<vmem>>) dst(%dma_wait3A_119 : memref<128x128xf32, #tpu.memory_space<hbm>>)
      %dma_start3A_120 = arith.constant 4 : i32
      %dma_start3A_121 = arith.constant 0 : i32
      %dma_start3A_122 = tpu.memref_slice %arg5[%scan3A_28, %dma_start3A_120, %dma_start3A_121] : memref<20x8x128xi32, #tpu.memory_space<vmem>> -> memref<1x1x128xi32, #tpu.memory_space<vmem>>
      %dma_start3A_123 = tpu.memref_squeeze %dma_start3A_122 : memref<1x1x128xi32, #tpu.memory_space<vmem>> -> memref<128xi32, #tpu.memory_space<vmem>>
      %dma_start3A_124 = arith.constant 0 : i32
      %dma_start3A_125 = arith.constant 0 : i32
      %dma_start3A_126 = tpu.memref_slice %arg2[%dma_start3A_124, %dma_start3A_125] : memref<8000x128xf32, #tpu.memory_space<hbm>> -> memref<8000x128xf32, #tpu.memory_space<hbm>>
      tpu.enqueue_indirect_dma source(%dma_start3A_126 : memref<8000x128xf32, #tpu.memory_space<hbm>>) target(%arg6 : memref<128x128xf32, #tpu.memory_space<vmem>>) offsets(%dma_start3A_123 : memref<128xi32, #tpu.memory_space<vmem>>) semaphore(%arg10 : memref<!tpu.dma_semaphore, #tpu.memory_space<semaphore_mem>>)
      %dma_wait3A_127 = arith.constant 4 : i32
      %dma_wait3A_128 = arith.constant 0 : i32
      %dma_wait3A_129 = tpu.memref_slice %arg5[%scan3A_28, %dma_wait3A_127, %dma_wait3A_128] : memref<20x8x128xi32, #tpu.memory_space<vmem>> -> memref<1x1x128xi32, #tpu.memory_space<vmem>>
      %dma_wait3A_130 = tpu.memref_squeeze %dma_wait3A_129 : memref<1x1x128xi32, #tpu.memory_space<vmem>> -> memref<128xi32, #tpu.memory_space<vmem>>
      %dma_wait3A_131 = arith.constant 0 : i32
      %dma_wait3A_132 = arith.constant 0 : i32
      %dma_wait3A_133 = tpu.memref_slice %arg2[%dma_wait3A_131, %dma_wait3A_132] : memref<8000x128xf32, #tpu.memory_space<hbm>> -> memref<8000x128xf32, #tpu.memory_space<hbm>>
      tpu.wait_indirect_dma semaphore(%arg10 : memref<!tpu.dma_semaphore, #tpu.memory_space<semaphore_mem>>) src(%dma_wait3A_133 : memref<8000x128xf32, #tpu.memory_space<hbm>>) dst(%arg6 : memref<128x128xf32, #tpu.memory_space<vmem>>)
      %dma_start3A_134 = arith.constant 512 : i32
      %dma_start3A_135 = tpu.memref_slice %arg4[%mul3A_2, %scan3A_28, %dma_start3A_134] : memref<4096x20x1000xf32, #tpu.memory_space<hbm>> -> memref<128x1x128xf32, #tpu.memory_space<hbm>>
      %dma_start3A_136 = tpu.memref_squeeze %dma_start3A_135 : memref<128x1x128xf32, #tpu.memory_space<hbm>> -> memref<128x128xf32, #tpu.memory_space<hbm>>
      %dma_start3A_137 = arith.constant 512 : i32
      %dma_start3A_138 = tpu.memref_slice %arg4[%mul3A_2, %scan3A_28, %dma_start3A_137] : memref<4096x20x1000xf32, #tpu.memory_space<hbm>> -> memref<128x1x128xf32, #tpu.memory_space<hbm>>
      %dma_start3A_139 = tpu.memref_squeeze %dma_start3A_138 : memref<128x1x128xf32, #tpu.memory_space<hbm>> -> memref<128x128xf32, #tpu.memory_space<hbm>>
      tpu.enqueue_dma source(%arg6 : memref<128x128xf32, #tpu.memory_space<vmem>>) target(%dma_start3A_139 : memref<128x128xf32, #tpu.memory_space<hbm>>) target_semaphore(%arg12 : memref<!tpu.dma_semaphore, #tpu.memory_space<semaphore_mem>>)
      %dma_wait3A_140 = arith.constant 384 : i32
      %dma_wait3A_141 = tpu.memref_slice %arg4[%mul3A_2, %scan3A_28, %dma_wait3A_140] : memref<4096x20x1000xf32, #tpu.memory_space<hbm>> -> memref<128x1x128xf32, #tpu.memory_space<hbm>>
      %dma_wait3A_142 = tpu.memref_squeeze %dma_wait3A_141 : memref<128x1x128xf32, #tpu.memory_space<hbm>> -> memref<128x128xf32, #tpu.memory_space<hbm>>
      %dma_wait3A_143 = arith.constant 384 : i32
      %dma_wait3A_144 = tpu.memref_slice %arg4[%mul3A_2, %scan3A_28, %dma_wait3A_143] : memref<4096x20x1000xf32, #tpu.memory_space<hbm>> -> memref<128x1x128xf32, #tpu.memory_space<hbm>>
      %dma_wait3A_145 = tpu.memref_squeeze %dma_wait3A_144 : memref<128x1x128xf32, #tpu.memory_space<hbm>> -> memref<128x128xf32, #tpu.memory_space<hbm>>
      tpu.wait_dma2 semaphore(%arg13 : memref<!tpu.dma_semaphore, #tpu.memory_space<semaphore_mem>>) src(%arg7 : memref<128x128xf32, #tpu.memory_space<vmem>>) dst(%dma_wait3A_145 : memref<128x128xf32, #tpu.memory_space<hbm>>)
      %dma_start3A_146 = arith.constant 5 : i32
      %dma_start3A_147 = arith.constant 0 : i32
      %dma_start3A_148 = tpu.memref_slice %arg5[%scan3A_28, %dma_start3A_146, %dma_start3A_147] : memref<20x8x128xi32, #tpu.memory_space<vmem>> -> memref<1x1x128xi32, #tpu.memory_space<vmem>>
      %dma_start3A_149 = tpu.memref_squeeze %dma_start3A_148 : memref<1x1x128xi32, #tpu.memory_space<vmem>> -> memref<128xi32, #tpu.memory_space<vmem>>
      %dma_start3A_150 = arith.constant 0 : i32
      %dma_start3A_151 = arith.constant 0 : i32
      %dma_start3A_152 = tpu.memref_slice %arg2[%dma_start3A_150, %dma_start3A_151] : memref<8000x128xf32, #tpu.memory_space<hbm>> -> memref<8000x128xf32, #tpu.memory_space<hbm>>
      tpu.enqueue_indirect_dma source(%dma_start3A_152 : memref<8000x128xf32, #tpu.memory_space<hbm>>) target(%arg7 : memref<128x128xf32, #tpu.memory_space<vmem>>) offsets(%dma_start3A_149 : memref<128xi32, #tpu.memory_space<vmem>>) semaphore(%arg11 : memref<!tpu.dma_semaphore, #tpu.memory_space<semaphore_mem>>)
      %dma_wait3A_153 = arith.constant 5 : i32
      %dma_wait3A_154 = arith.constant 0 : i32
      %dma_wait3A_155 = tpu.memref_slice %arg5[%scan3A_28, %dma_wait3A_153, %dma_wait3A_154] : memref<20x8x128xi32, #tpu.memory_space<vmem>> -> memref<1x1x128xi32, #tpu.memory_space<vmem>>
      %dma_wait3A_156 = tpu.memref_squeeze %dma_wait3A_155 : memref<1x1x128xi32, #tpu.memory_space<vmem>> -> memref<128xi32, #tpu.memory_space<vmem>>
      %dma_wait3A_157 = arith.constant 0 : i32
      %dma_wait3A_158 = arith.constant 0 : i32
      %dma_wait3A_159 = tpu.memref_slice %arg2[%dma_wait3A_157, %dma_wait3A_158] : memref<8000x128xf32, #tpu.memory_space<hbm>> -> memref<8000x128xf32, #tpu.memory_space<hbm>>
      tpu.wait_indirect_dma semaphore(%arg11 : memref<!tpu.dma_semaphore, #tpu.memory_space<semaphore_mem>>) src(%dma_wait3A_159 : memref<8000x128xf32, #tpu.memory_space<hbm>>) dst(%arg7 : memref<128x128xf32, #tpu.memory_space<vmem>>)
      %dma_start3A_160 = arith.constant 640 : i32
      %dma_start3A_161 = tpu.memref_slice %arg4[%mul3A_2, %scan3A_28, %dma_start3A_160] : memref<4096x20x1000xf32, #tpu.memory_space<hbm>> -> memref<128x1x128xf32, #tpu.memory_space<hbm>>
      %dma_start3A_162 = tpu.memref_squeeze %dma_start3A_161 : memref<128x1x128xf32, #tpu.memory_space<hbm>> -> memref<128x128xf32, #tpu.memory_space<hbm>>
      %dma_start3A_163 = arith.constant 640 : i32
      %dma_start3A_164 = tpu.memref_slice %arg4[%mul3A_2, %scan3A_28, %dma_start3A_163] : memref<4096x20x1000xf32, #tpu.memory_space<hbm>> -> memref<128x1x128xf32, #tpu.memory_space<hbm>>
      %dma_start3A_165 = tpu.memref_squeeze %dma_start3A_164 : memref<128x1x128xf32, #tpu.memory_space<hbm>> -> memref<128x128xf32, #tpu.memory_space<hbm>>
      tpu.enqueue_dma source(%arg7 : memref<128x128xf32, #tpu.memory_space<vmem>>) target(%dma_start3A_165 : memref<128x128xf32, #tpu.memory_space<hbm>>) target_semaphore(%arg13 : memref<!tpu.dma_semaphore, #tpu.memory_space<semaphore_mem>>)
      %dma_wait3A_166 = arith.constant 512 : i32
      %dma_wait3A_167 = tpu.memref_slice %arg4[%mul3A_2, %scan3A_28, %dma_wait3A_166] : memref<4096x20x1000xf32, #tpu.memory_space<hbm>> -> memref<128x1x128xf32, #tpu.memory_space<hbm>>
      %dma_wait3A_168 = tpu.memref_squeeze %dma_wait3A_167 : memref<128x1x128xf32, #tpu.memory_space<hbm>> -> memref<128x128xf32, #tpu.memory_space<hbm>>
      %dma_wait3A_169 = arith.constant 512 : i32
      %dma_wait3A_170 = tpu.memref_slice %arg4[%mul3A_2, %scan3A_28, %dma_wait3A_169] : memref<4096x20x1000xf32, #tpu.memory_space<hbm>> -> memref<128x1x128xf32, #tpu.memory_space<hbm>>
      %dma_wait3A_171 = tpu.memref_squeeze %dma_wait3A_170 : memref<128x1x128xf32, #tpu.memory_space<hbm>> -> memref<128x128xf32, #tpu.memory_space<hbm>>
      tpu.wait_dma2 semaphore(%arg12 : memref<!tpu.dma_semaphore, #tpu.memory_space<semaphore_mem>>) src(%arg6 : memref<128x128xf32, #tpu.memory_space<vmem>>) dst(%dma_wait3A_171 : memref<128x128xf32, #tpu.memory_space<hbm>>)
      %dma_start3A_172 = arith.constant 6 : i32
      %dma_start3A_173 = arith.constant 0 : i32
      %dma_start3A_174 = tpu.memref_slice %arg5[%scan3A_28, %dma_start3A_172, %dma_start3A_173] : memref<20x8x128xi32, #tpu.memory_space<vmem>> -> memref<1x1x128xi32, #tpu.memory_space<vmem>>
      %dma_start3A_175 = tpu.memref_squeeze %dma_start3A_174 : memref<1x1x128xi32, #tpu.memory_space<vmem>> -> memref<128xi32, #tpu.memory_space<vmem>>
      %dma_start3A_176 = arith.constant 0 : i32
      %dma_start3A_177 = arith.constant 0 : i32
      %dma_start3A_178 = tpu.memref_slice %arg2[%dma_start3A_176, %dma_start3A_177] : memref<8000x128xf32, #tpu.memory_space<hbm>> -> memref<8000x128xf32, #tpu.memory_space<hbm>>
      tpu.enqueue_indirect_dma source(%dma_start3A_178 : memref<8000x128xf32, #tpu.memory_space<hbm>>) target(%arg6 : memref<128x128xf32, #tpu.memory_space<vmem>>) offsets(%dma_start3A_175 : memref<128xi32, #tpu.memory_space<vmem>>) semaphore(%arg10 : memref<!tpu.dma_semaphore, #tpu.memory_space<semaphore_mem>>)
      %dma_wait3A_179 = arith.constant 6 : i32
      %dma_wait3A_180 = arith.constant 0 : i32
      %dma_wait3A_181 = tpu.memref_slice %arg5[%scan3A_28, %dma_wait3A_179, %dma_wait3A_180] : memref<20x8x128xi32, #tpu.memory_space<vmem>> -> memref<1x1x128xi32, #tpu.memory_space<vmem>>
      %dma_wait3A_182 = tpu.memref_squeeze %dma_wait3A_181 : memref<1x1x128xi32, #tpu.memory_space<vmem>> -> memref<128xi32, #tpu.memory_space<vmem>>
      %dma_wait3A_183 = arith.constant 0 : i32
      %dma_wait3A_184 = arith.constant 0 : i32
      %dma_wait3A_185 = tpu.memref_slice %arg2[%dma_wait3A_183, %dma_wait3A_184] : memref<8000x128xf32, #tpu.memory_space<hbm>> -> memref<8000x128xf32, #tpu.memory_space<hbm>>
      tpu.wait_indirect_dma semaphore(%arg10 : memref<!tpu.dma_semaphore, #tpu.memory_space<semaphore_mem>>) src(%dma_wait3A_185 : memref<8000x128xf32, #tpu.memory_space<hbm>>) dst(%arg6 : memref<128x128xf32, #tpu.memory_space<vmem>>)
      %dma_start3A_186 = arith.constant 768 : i32
      %dma_start3A_187 = tpu.memref_slice %arg4[%mul3A_2, %scan3A_28, %dma_start3A_186] : memref<4096x20x1000xf32, #tpu.memory_space<hbm>> -> memref<128x1x128xf32, #tpu.memory_space<hbm>>
      %dma_start3A_188 = tpu.memref_squeeze %dma_start3A_187 : memref<128x1x128xf32, #tpu.memory_space<hbm>> -> memref<128x128xf32, #tpu.memory_space<hbm>>
      %dma_start3A_189 = arith.constant 768 : i32
      %dma_start3A_190 = tpu.memref_slice %arg4[%mul3A_2, %scan3A_28, %dma_start3A_189] : memref<4096x20x1000xf32, #tpu.memory_space<hbm>> -> memref<128x1x128xf32, #tpu.memory_space<hbm>>
      %dma_start3A_191 = tpu.memref_squeeze %dma_start3A_190 : memref<128x1x128xf32, #tpu.memory_space<hbm>> -> memref<128x128xf32, #tpu.memory_space<hbm>>
      tpu.enqueue_dma source(%arg6 : memref<128x128xf32, #tpu.memory_space<vmem>>) target(%dma_start3A_191 : memref<128x128xf32, #tpu.memory_space<hbm>>) target_semaphore(%arg12 : memref<!tpu.dma_semaphore, #tpu.memory_space<semaphore_mem>>)
      %dma_wait3A_192 = arith.constant 640 : i32
      %dma_wait3A_193 = tpu.memref_slice %arg4[%mul3A_2, %scan3A_28, %dma_wait3A_192] : memref<4096x20x1000xf32, #tpu.memory_space<hbm>> -> memref<128x1x128xf32, #tpu.memory_space<hbm>>
      %dma_wait3A_194 = tpu.memref_squeeze %dma_wait3A_193 : memref<128x1x128xf32, #tpu.memory_space<hbm>> -> memref<128x128xf32, #tpu.memory_space<hbm>>
      %dma_wait3A_195 = arith.constant 640 : i32
      %dma_wait3A_196 = tpu.memref_slice %arg4[%mul3A_2, %scan3A_28, %dma_wait3A_195] : memref<4096x20x1000xf32, #tpu.memory_space<hbm>> -> memref<128x1x128xf32, #tpu.memory_space<hbm>>
      %dma_wait3A_197 = tpu.memref_squeeze %dma_wait3A_196 : memref<128x1x128xf32, #tpu.memory_space<hbm>> -> memref<128x128xf32, #tpu.memory_space<hbm>>
      tpu.wait_dma2 semaphore(%arg13 : memref<!tpu.dma_semaphore, #tpu.memory_space<semaphore_mem>>) src(%arg7 : memref<128x128xf32, #tpu.memory_space<vmem>>) dst(%dma_wait3A_197 : memref<128x128xf32, #tpu.memory_space<hbm>>)
      %dma_start3A_198 = arith.constant 7 : i32
      %dma_start3A_199 = arith.constant 0 : i32
      %dma_start3A_200 = tpu.memref_slice %arg5[%scan3A_28, %dma_start3A_198, %dma_start3A_199] : memref<20x8x128xi32, #tpu.memory_space<vmem>> -> memref<1x1x128xi32, #tpu.memory_space<vmem>>
      %dma_start3A_201 = tpu.memref_squeeze %dma_start3A_200 : memref<1x1x128xi32, #tpu.memory_space<vmem>> -> memref<128xi32, #tpu.memory_space<vmem>>
      %dma_start3A_202 = arith.constant 0 : i32
      %dma_start3A_203 = arith.constant 0 : i32
      %dma_start3A_204 = tpu.memref_slice %arg2[%dma_start3A_202, %dma_start3A_203] : memref<8000x128xf32, #tpu.memory_space<hbm>> -> memref<8000x128xf32, #tpu.memory_space<hbm>>
      tpu.enqueue_indirect_dma source(%dma_start3A_204 : memref<8000x128xf32, #tpu.memory_space<hbm>>) target(%arg7 : memref<128x128xf32, #tpu.memory_space<vmem>>) offsets(%dma_start3A_201 : memref<128xi32, #tpu.memory_space<vmem>>) semaphore(%arg11 : memref<!tpu.dma_semaphore, #tpu.memory_space<semaphore_mem>>)
      %dma_wait3A_205 = arith.constant 7 : i32
      %dma_wait3A_206 = arith.constant 0 : i32
      %dma_wait3A_207 = tpu.memref_slice %arg5[%scan3A_28, %dma_wait3A_205, %dma_wait3A_206] : memref<20x8x128xi32, #tpu.memory_space<vmem>> -> memref<1x1x128xi32, #tpu.memory_space<vmem>>
      %dma_wait3A_208 = tpu.memref_squeeze %dma_wait3A_207 : memref<1x1x128xi32, #tpu.memory_space<vmem>> -> memref<128xi32, #tpu.memory_space<vmem>>
      %dma_wait3A_209 = arith.constant 0 : i32
      %dma_wait3A_210 = arith.constant 0 : i32
      %dma_wait3A_211 = tpu.memref_slice %arg2[%dma_wait3A_209, %dma_wait3A_210] : memref<8000x128xf32, #tpu.memory_space<hbm>> -> memref<8000x128xf32, #tpu.memory_space<hbm>>
      tpu.wait_indirect_dma semaphore(%arg11 : memref<!tpu.dma_semaphore, #tpu.memory_space<semaphore_mem>>) src(%dma_wait3A_211 : memref<8000x128xf32, #tpu.memory_space<hbm>>) dst(%arg7 : memref<128x128xf32, #tpu.memory_space<vmem>>)
      %dma_wait3A_212 = arith.constant 768 : i32
      %dma_wait3A_213 = tpu.memref_slice %arg4[%mul3A_2, %scan3A_28, %dma_wait3A_212] : memref<4096x20x1000xf32, #tpu.memory_space<hbm>> -> memref<128x1x128xf32, #tpu.memory_space<hbm>>
      %dma_wait3A_214 = tpu.memref_squeeze %dma_wait3A_213 : memref<128x1x128xf32, #tpu.memory_space<hbm>> -> memref<128x128xf32, #tpu.memory_space<hbm>>
      %dma_wait3A_215 = arith.constant 768 : i32
      %dma_wait3A_216 = tpu.memref_slice %arg4[%mul3A_2, %scan3A_28, %dma_wait3A_215] : memref<4096x20x1000xf32, #tpu.memory_space<hbm>> -> memref<128x1x128xf32, #tpu.memory_space<hbm>>
      %dma_wait3A_217 = tpu.memref_squeeze %dma_wait3A_216 : memref<128x1x128xf32, #tpu.memory_space<hbm>> -> memref<128x128xf32, #tpu.memory_space<hbm>>
      tpu.wait_dma2 semaphore(%arg12 : memref<!tpu.dma_semaphore, #tpu.memory_space<semaphore_mem>>) src(%arg6 : memref<128x128xf32, #tpu.memory_space<vmem>>) dst(%dma_wait3A_217 : memref<128x128xf32, #tpu.memory_space<hbm>>)
      %lt3A = arith.constant 19 : i32
      %lt3A_218 = arith.cmpi slt, %scan3A_28, %lt3A : i32
      %convert_element_type3A = arith.extui %lt3A_218 : i1 to i32
      %cond3A = arith.constant 0 : i32
      %cond3A_219 = arith.cmpi ne, %convert_element_type3A, %cond3A : i32
      scf.if %cond3A_219 {
        %add3A_256 = arith.constant 1 : i32
        %add3A_257 = arith.addi %scan3A_28, %add3A_256 : i32
        %dma_start3A_258 = arith.constant 0 : i32
        %dma_start3A_259 = arith.constant 0 : i32
        %dma_start3A_260 = tpu.memref_slice %arg5[%add3A_257, %dma_start3A_258, %dma_start3A_259] : memref<20x8x128xi32, #tpu.memory_space<vmem>> -> memref<1x1x128xi32, #tpu.memory_space<vmem>>
        %dma_start3A_261 = tpu.memref_squeeze %dma_start3A_260 : memref<1x1x128xi32, #tpu.memory_space<vmem>> -> memref<128xi32, #tpu.memory_space<vmem>>
        %dma_start3A_262 = arith.constant 0 : i32
        %dma_start3A_263 = arith.constant 0 : i32
        %dma_start3A_264 = tpu.memref_slice %arg2[%dma_start3A_262, %dma_start3A_263] : memref<8000x128xf32, #tpu.memory_space<hbm>> -> memref<8000x128xf32, #tpu.memory_space<hbm>>
        tpu.enqueue_indirect_dma source(%dma_start3A_264 : memref<8000x128xf32, #tpu.memory_space<hbm>>) target(%arg6 : memref<128x128xf32, #tpu.memory_space<vmem>>) offsets(%dma_start3A_261 : memref<128xi32, #tpu.memory_space<vmem>>) semaphore(%arg10 : memref<!tpu.dma_semaphore, #tpu.memory_space<semaphore_mem>>)
      } else {
      }
      %jit3A = arith.constant 2 : i32
      %eq3A = arith.constant 0 : i32
      %eq3A_220 = arith.cmpi eq, %jit3A, %eq3A : i32
      %jit3A_221 = arith.constant 1 : i32
      %select_n3A = arith.select %eq3A_220, %jit3A_221, %jit3A : i32
      %rem3A = arith.remsi %scan3A_28, %select_n3A : i32
      %ne3A = arith.constant 0 : i32
      %ne3A_222 = arith.cmpi ne, %rem3A, %ne3A : i32
      %lt3A_223 = arith.constant 0 : i32
      %lt3A_224 = arith.cmpi slt, %rem3A, %lt3A_223 : i32
      %lt3A_225 = arith.constant 0 : i32
      %lt3A_226 = arith.cmpi slt, %select_n3A, %lt3A_225 : i32
      %ne3A_227 = arith.xori %lt3A_224, %lt3A_226 : i1
      %and3A = arith.andi %ne3A_227, %ne3A_222 : i1
      %add3A_228 = arith.addi %rem3A, %select_n3A : i32
      %select_n3A_229 = arith.select %and3A, %add3A_228, %rem3A : i32
      %eq3A_230 = arith.constant 0 : i32
      %eq3A_231 = arith.cmpi eq, %select_n3A_229, %eq3A_230 : i32
      %convert_element_type3A_232 = arith.extui %eq3A_231 : i1 to i32
      %cond3A_233 = arith.constant 0 : i32
      %cond3A_234 = arith.cmpi ne, %convert_element_type3A_232, %cond3A_233 : i32
      scf.if %cond3A_234 {
        %ge3A = arith.constant 2 : i32
        %ge3A_256 = arith.cmpi sge, %scan3A_28, %ge3A : i32
        %convert_element_type3A_257 = arith.extui %ge3A_256 : i1 to i32
        %cond3A_258 = arith.constant 0 : i32
        %cond3A_259 = arith.cmpi ne, %convert_element_type3A_257, %cond3A_258 : i32
        scf.if %cond3A_259 {
          %sub3A = arith.constant 2 : i32
          %sub3A_272 = arith.subi %scan3A_28, %sub3A : i32
          %dma_wait3A_273 = arith.constant 896 : i32
          %dma_wait3A_274 = tpu.memref_slice %arg4[%mul3A_2, %sub3A_272, %dma_wait3A_273] : memref<4096x20x1000xf32, #tpu.memory_space<hbm>> -> memref<128x1x104xf32, #tpu.memory_space<hbm>>
          %dma_wait3A_275 = tpu.memref_squeeze %dma_wait3A_274 : memref<128x1x104xf32, #tpu.memory_space<hbm>> -> memref<128x104xf32, #tpu.memory_space<hbm>>
          %dma_wait3A_276 = arith.constant 896 : i32
          %dma_wait3A_277 = tpu.memref_slice %arg4[%mul3A_2, %sub3A_272, %dma_wait3A_276] : memref<4096x20x1000xf32, #tpu.memory_space<hbm>> -> memref<128x1x104xf32, #tpu.memory_space<hbm>>
          %dma_wait3A_278 = tpu.memref_squeeze %dma_wait3A_277 : memref<128x1x104xf32, #tpu.memory_space<hbm>> -> memref<128x104xf32, #tpu.memory_space<hbm>>
          tpu.wait_dma2 semaphore(%arg14 : memref<!tpu.dma_semaphore, #tpu.memory_space<semaphore_mem>>) src(%arg8 : memref<128x104xf32, #tpu.memory_space<vmem>>) dst(%dma_wait3A_278 : memref<128x104xf32, #tpu.memory_space<hbm>>)
        } else {
        }
        %scan3A_260 = arith.constant 0 : i32
        %scan3A_261 = arith.constant 0 : i32
        %scan3A_262 = arith.constant 128 : i32
        %scan3A_263 = arith.addi %scan3A_261, %scan3A_262 : i32
        %scan3A_264 = arith.constant 1 : i32
        scf.for %scan3A_272 = %scan3A_261 to %scan3A_263 step %scan3A_264  : i32 {
          %get3A = arith.index_cast %scan3A_272 : i32 to index
          %get3A_273 = arith.constant 0 : index
          %get3A_274 = tpu.vector_load %arg7[%get3A, %get3A_273] {strides = array<i32>} : memref<128x128xf32, #tpu.memory_space<vmem>>, vector<1x16xf32>,
          %get3A_275 = vector.shape_cast %get3A_274 : vector<1x16xf32> to vector<16xf32>
          %swap3A = arith.index_cast %scan3A_272 : i32 to index
          %swap3A_276 = arith.constant 0 : index
          %swap3A_277 = tpu.vector_load %arg8[%swap3A, %swap3A_276] {strides = array<i32>} : memref<128x104xf32, #tpu.memory_space<vmem>>, vector<1x16xf32>,
          %swap3A_278 = vector.shape_cast %swap3A_277 : vector<1x16xf32> to vector<16xf32>
          %swap3A_279 = vector.shape_cast %get3A_275 : vector<16xf32> to vector<1x16xf32>
          tpu.vector_store %arg8[%swap3A, %swap3A_276], %swap3A_279 {strides = array<i32>} : memref<128x104xf32, #tpu.memory_space<vmem>>, vector<1x16xf32>,
          %get3A_280 = arith.index_cast %scan3A_272 : i32 to index
          %get3A_281 = arith.constant 16 : index
          %get3A_282 = tpu.vector_load %arg7[%get3A_280, %get3A_281] {strides = array<i32>} : memref<128x128xf32, #tpu.memory_space<vmem>>, vector<1x16xf32>,
          %get3A_283 = vector.shape_cast %get3A_282 : vector<1x16xf32> to vector<16xf32>
          %swap3A_284 = arith.index_cast %scan3A_272 : i32 to index
          %swap3A_285 = arith.constant 16 : index
          %swap3A_286 = tpu.vector_load %arg8[%swap3A_284, %swap3A_285] {strides = array<i32>} : memref<128x104xf32, #tpu.memory_space<vmem>>, vector<1x16xf32>,
          %swap3A_287 = vector.shape_cast %swap3A_286 : vector<1x16xf32> to vector<16xf32>
          %swap3A_288 = vector.shape_cast %get3A_283 : vector<16xf32> to vector<1x16xf32>
          tpu.vector_store %arg8[%swap3A_284, %swap3A_285], %swap3A_288 {strides = array<i32>} : memref<128x104xf32, #tpu.memory_space<vmem>>, vector<1x16xf32>,
          %get3A_289 = arith.index_cast %scan3A_272 : i32 to index
          %get3A_290 = arith.constant 32 : index
          %get3A_291 = tpu.vector_load %arg7[%get3A_289, %get3A_290] {strides = array<i32>} : memref<128x128xf32, #tpu.memory_space<vmem>>, vector<1x16xf32>,
          %get3A_292 = vector.shape_cast %get3A_291 : vector<1x16xf32> to vector<16xf32>
          %swap3A_293 = arith.index_cast %scan3A_272 : i32 to index
          %swap3A_294 = arith.constant 32 : index
          %swap3A_295 = tpu.vector_load %arg8[%swap3A_293, %swap3A_294] {strides = array<i32>} : memref<128x104xf32, #tpu.memory_space<vmem>>, vector<1x16xf32>,
          %swap3A_296 = vector.shape_cast %swap3A_295 : vector<1x16xf32> to vector<16xf32>
          %swap3A_297 = vector.shape_cast %get3A_292 : vector<16xf32> to vector<1x16xf32>
          tpu.vector_store %arg8[%swap3A_293, %swap3A_294], %swap3A_297 {strides = array<i32>} : memref<128x104xf32, #tpu.memory_space<vmem>>, vector<1x16xf32>,
          %get3A_298 = arith.index_cast %scan3A_272 : i32 to index
          %get3A_299 = arith.constant 48 : index
          %get3A_300 = tpu.vector_load %arg7[%get3A_298, %get3A_299] {strides = array<i32>} : memref<128x128xf32, #tpu.memory_space<vmem>>, vector<1x16xf32>,
          %get3A_301 = vector.shape_cast %get3A_300 : vector<1x16xf32> to vector<16xf32>
          %swap3A_302 = arith.index_cast %scan3A_272 : i32 to index
          %swap3A_303 = arith.constant 48 : index
          %swap3A_304 = tpu.vector_load %arg8[%swap3A_302, %swap3A_303] {strides = array<i32>} : memref<128x104xf32, #tpu.memory_space<vmem>>, vector<1x16xf32>,
          %swap3A_305 = vector.shape_cast %swap3A_304 : vector<1x16xf32> to vector<16xf32>
          %swap3A_306 = vector.shape_cast %get3A_301 : vector<16xf32> to vector<1x16xf32>
          tpu.vector_store %arg8[%swap3A_302, %swap3A_303], %swap3A_306 {strides = array<i32>} : memref<128x104xf32, #tpu.memory_space<vmem>>, vector<1x16xf32>,
          %get3A_307 = arith.index_cast %scan3A_272 : i32 to index
          %get3A_308 = arith.constant 64 : index
          %get3A_309 = tpu.vector_load %arg7[%get3A_307, %get3A_308] {strides = array<i32>} : memref<128x128xf32, #tpu.memory_space<vmem>>, vector<1x16xf32>,
          %get3A_310 = vector.shape_cast %get3A_309 : vector<1x16xf32> to vector<16xf32>
          %swap3A_311 = arith.index_cast %scan3A_272 : i32 to index
          %swap3A_312 = arith.constant 64 : index
          %swap3A_313 = tpu.vector_load %arg8[%swap3A_311, %swap3A_312] {strides = array<i32>} : memref<128x104xf32, #tpu.memory_space<vmem>>, vector<1x16xf32>,
          %swap3A_314 = vector.shape_cast %swap3A_313 : vector<1x16xf32> to vector<16xf32>
          %swap3A_315 = vector.shape_cast %get3A_310 : vector<16xf32> to vector<1x16xf32>
          tpu.vector_store %arg8[%swap3A_311, %swap3A_312], %swap3A_315 {strides = array<i32>} : memref<128x104xf32, #tpu.memory_space<vmem>>, vector<1x16xf32>,
          %get3A_316 = arith.index_cast %scan3A_272 : i32 to index
          %get3A_317 = arith.constant 80 : index
          %get3A_318 = tpu.vector_load %arg7[%get3A_316, %get3A_317] {strides = array<i32>} : memref<128x128xf32, #tpu.memory_space<vmem>>, vector<1x16xf32>,
          %get3A_319 = vector.shape_cast %get3A_318 : vector<1x16xf32> to vector<16xf32>
          %swap3A_320 = arith.index_cast %scan3A_272 : i32 to index
          %swap3A_321 = arith.constant 80 : index
          %swap3A_322 = tpu.vector_load %arg8[%swap3A_320, %swap3A_321] {strides = array<i32>} : memref<128x104xf32, #tpu.memory_space<vmem>>, vector<1x16xf32>,
          %swap3A_323 = vector.shape_cast %swap3A_322 : vector<1x16xf32> to vector<16xf32>
          %swap3A_324 = vector.shape_cast %get3A_319 : vector<16xf32> to vector<1x16xf32>
          tpu.vector_store %arg8[%swap3A_320, %swap3A_321], %swap3A_324 {strides = array<i32>} : memref<128x104xf32, #tpu.memory_space<vmem>>, vector<1x16xf32>,
          %get3A_325 = arith.index_cast %scan3A_272 : i32 to index
          %get3A_326 = arith.constant 88 : index
          %get3A_327 = tpu.vector_load %arg7[%get3A_325, %get3A_326] {strides = array<i32>} : memref<128x128xf32, #tpu.memory_space<vmem>>, vector<1x16xf32>,
          %get3A_328 = vector.shape_cast %get3A_327 : vector<1x16xf32> to vector<16xf32>
          %swap3A_329 = arith.index_cast %scan3A_272 : i32 to index
          %swap3A_330 = arith.constant 88 : index
          %swap3A_331 = tpu.vector_load %arg8[%swap3A_329, %swap3A_330] {strides = array<i32>} : memref<128x104xf32, #tpu.memory_space<vmem>>, vector<1x16xf32>,
          %swap3A_332 = vector.shape_cast %swap3A_331 : vector<1x16xf32> to vector<16xf32>
          %swap3A_333 = vector.shape_cast %get3A_328 : vector<16xf32> to vector<1x16xf32>
          tpu.vector_store %arg8[%swap3A_329, %swap3A_330], %swap3A_333 {strides = array<i32>} : memref<128x104xf32, #tpu.memory_space<vmem>>, vector<1x16xf32>,
        }
        %scan3A_265 = arith.constant 128 : i32
        %dma_start3A_266 = arith.constant 896 : i32
        %dma_start3A_267 = tpu.memref_slice %arg4[%mul3A_2, %scan3A_28, %dma_start3A_266] : memref<4096x20x1000xf32, #tpu.memory_space<hbm>> -> memref<128x1x104xf32, #tpu.memory_space<hbm>>
        %dma_start3A_268 = tpu.memref_squeeze %dma_start3A_267 : memref<128x1x104xf32, #tpu.memory_space<hbm>> -> memref<128x104xf32, #tpu.memory_space<hbm>>
        %dma_start3A_269 = arith.constant 896 : i32
        %dma_start3A_270 = tpu.memref_slice %arg4[%mul3A_2, %scan3A_28, %dma_start3A_269] : memref<4096x20x1000xf32, #tpu.memory_space<hbm>> -> memref<128x1x104xf32, #tpu.memory_space<hbm>>
        %dma_start3A_271 = tpu.memref_squeeze %dma_start3A_270 : memref<128x1x104xf32, #tpu.memory_space<hbm>> -> memref<128x104xf32, #tpu.memory_space<hbm>>
        tpu.enqueue_dma source(%arg8 : memref<128x104xf32, #tpu.memory_space<vmem>>) target(%dma_start3A_271 : memref<128x104xf32, #tpu.memory_space<hbm>>) target_semaphore(%arg14 : memref<!tpu.dma_semaphore, #tpu.memory_space<semaphore_mem>>)
      } else {
      }
      %jit3A_235 = arith.constant 2 : i32
      %eq3A_236 = arith.constant 0 : i32
      %eq3A_237 = arith.cmpi eq, %jit3A_235, %eq3A_236 : i32
      %jit3A_238 = arith.constant 1 : i32
      %select_n3A_239 = arith.select %eq3A_237, %jit3A_238, %jit3A_235 : i32
      %rem3A_240 = arith.remsi %scan3A_28, %select_n3A_239 : i32
      %ne3A_241 = arith.constant 0 : i32
      %ne3A_242 = arith.cmpi ne, %rem3A_240, %ne3A_241 : i32
      %lt3A_243 = arith.constant 0 : i32
      %lt3A_244 = arith.cmpi slt, %rem3A_240, %lt3A_243 : i32
      %lt3A_245 = arith.constant 0 : i32
      %lt3A_246 = arith.cmpi slt, %select_n3A_239, %lt3A_245 : i32
      %ne3A_247 = arith.xori %lt3A_244, %lt3A_246 : i1
      %and3A_248 = arith.andi %ne3A_247, %ne3A_242 : i1
      %add3A_249 = arith.addi %rem3A_240, %select_n3A_239 : i32
      %select_n3A_250 = arith.select %and3A_248, %add3A_249, %rem3A_240 : i32
      %eq3A_251 = arith.constant 1 : i32
      %eq3A_252 = arith.cmpi eq, %select_n3A_250, %eq3A_251 : i32
      %convert_element_type3A_253 = arith.extui %eq3A_252 : i1 to i32
      %cond3A_254 = arith.constant 0 : i32
      %cond3A_255 = arith.cmpi ne, %convert_element_type3A_253, %cond3A_254 : i32
      scf.if %cond3A_255 {
        %ge3A = arith.constant 2 : i32
        %ge3A_256 = arith.cmpi sge, %scan3A_28, %ge3A : i32
        %convert_element_type3A_257 = arith.extui %ge3A_256 : i1 to i32
        %cond3A_258 = arith.constant 0 : i32
        %cond3A_259 = arith.cmpi ne, %convert_element_type3A_257, %cond3A_258 : i32
        scf.if %cond3A_259 {
          %sub3A = arith.constant 2 : i32
          %sub3A_272 = arith.subi %scan3A_28, %sub3A : i32
          %dma_wait3A_273 = arith.constant 896 : i32
          %dma_wait3A_274 = tpu.memref_slice %arg4[%mul3A_2, %sub3A_272, %dma_wait3A_273] : memref<4096x20x1000xf32, #tpu.memory_space<hbm>> -> memref<128x1x104xf32, #tpu.memory_space<hbm>>
          %dma_wait3A_275 = tpu.memref_squeeze %dma_wait3A_274 : memref<128x1x104xf32, #tpu.memory_space<hbm>> -> memref<128x104xf32, #tpu.memory_space<hbm>>
          %dma_wait3A_276 = arith.constant 896 : i32
          %dma_wait3A_277 = tpu.memref_slice %arg4[%mul3A_2, %sub3A_272, %dma_wait3A_276] : memref<4096x20x1000xf32, #tpu.memory_space<hbm>> -> memref<128x1x104xf32, #tpu.memory_space<hbm>>
          %dma_wait3A_278 = tpu.memref_squeeze %dma_wait3A_277 : memref<128x1x104xf32, #tpu.memory_space<hbm>> -> memref<128x104xf32, #tpu.memory_space<hbm>>
          tpu.wait_dma2 semaphore(%arg15 : memref<!tpu.dma_semaphore, #tpu.memory_space<semaphore_mem>>) src(%arg9 : memref<128x104xf32, #tpu.memory_space<vmem>>) dst(%dma_wait3A_278 : memref<128x104xf32, #tpu.memory_space<hbm>>)
        } else {
        }
        %scan3A_260 = arith.constant 0 : i32
        %scan3A_261 = arith.constant 0 : i32
        %scan3A_262 = arith.constant 128 : i32
        %scan3A_263 = arith.addi %scan3A_261, %scan3A_262 : i32
        %scan3A_264 = arith.constant 1 : i32
        scf.for %scan3A_272 = %scan3A_261 to %scan3A_263 step %scan3A_264  : i32 {
          %get3A = arith.index_cast %scan3A_272 : i32 to index
          %get3A_273 = arith.constant 0 : index
          %get3A_274 = tpu.vector_load %arg7[%get3A, %get3A_273] {strides = array<i32>} : memref<128x128xf32, #tpu.memory_space<vmem>>, vector<1x16xf32>,
          %get3A_275 = vector.shape_cast %get3A_274 : vector<1x16xf32> to vector<16xf32>
          %swap3A = arith.index_cast %scan3A_272 : i32 to index
          %swap3A_276 = arith.constant 0 : index
          %swap3A_277 = tpu.vector_load %arg9[%swap3A, %swap3A_276] {strides = array<i32>} : memref<128x104xf32, #tpu.memory_space<vmem>>, vector<1x16xf32>,
          %swap3A_278 = vector.shape_cast %swap3A_277 : vector<1x16xf32> to vector<16xf32>
          %swap3A_279 = vector.shape_cast %get3A_275 : vector<16xf32> to vector<1x16xf32>
          tpu.vector_store %arg9[%swap3A, %swap3A_276], %swap3A_279 {strides = array<i32>} : memref<128x104xf32, #tpu.memory_space<vmem>>, vector<1x16xf32>,
          %get3A_280 = arith.index_cast %scan3A_272 : i32 to index
          %get3A_281 = arith.constant 16 : index
          %get3A_282 = tpu.vector_load %arg7[%get3A_280, %get3A_281] {strides = array<i32>} : memref<128x128xf32, #tpu.memory_space<vmem>>, vector<1x16xf32>,
          %get3A_283 = vector.shape_cast %get3A_282 : vector<1x16xf32> to vector<16xf32>
          %swap3A_284 = arith.index_cast %scan3A_272 : i32 to index
          %swap3A_285 = arith.constant 16 : index
          %swap3A_286 = tpu.vector_load %arg9[%swap3A_284, %swap3A_285] {strides = array<i32>} : memref<128x104xf32, #tpu.memory_space<vmem>>, vector<1x16xf32>,
          %swap3A_287 = vector.shape_cast %swap3A_286 : vector<1x16xf32> to vector<16xf32>
          %swap3A_288 = vector.shape_cast %get3A_283 : vector<16xf32> to vector<1x16xf32>
          tpu.vector_store %arg9[%swap3A_284, %swap3A_285], %swap3A_288 {strides = array<i32>} : memref<128x104xf32, #tpu.memory_space<vmem>>, vector<1x16xf32>,
          %get3A_289 = arith.index_cast %scan3A_272 : i32 to index
          %get3A_290 = arith.constant 32 : index
          %get3A_291 = tpu.vector_load %arg7[%get3A_289, %get3A_290] {strides = array<i32>} : memref<128x128xf32, #tpu.memory_space<vmem>>, vector<1x16xf32>,
          %get3A_292 = vector.shape_cast %get3A_291 : vector<1x16xf32> to vector<16xf32>
          %swap3A_293 = arith.index_cast %scan3A_272 : i32 to index
          %swap3A_294 = arith.constant 32 : index
          %swap3A_295 = tpu.vector_load %arg9[%swap3A_293, %swap3A_294] {strides = array<i32>} : memref<128x104xf32, #tpu.memory_space<vmem>>, vector<1x16xf32>,
          %swap3A_296 = vector.shape_cast %swap3A_295 : vector<1x16xf32> to vector<16xf32>
          %swap3A_297 = vector.shape_cast %get3A_292 : vector<16xf32> to vector<1x16xf32>
          tpu.vector_store %arg9[%swap3A_293, %swap3A_294], %swap3A_297 {strides = array<i32>} : memref<128x104xf32, #tpu.memory_space<vmem>>, vector<1x16xf32>,
          %get3A_298 = arith.index_cast %scan3A_272 : i32 to index
          %get3A_299 = arith.constant 48 : index
          %get3A_300 = tpu.vector_load %arg7[%get3A_298, %get3A_299] {strides = array<i32>} : memref<128x128xf32, #tpu.memory_space<vmem>>, vector<1x16xf32>,
          %get3A_301 = vector.shape_cast %get3A_300 : vector<1x16xf32> to vector<16xf32>
          %swap3A_302 = arith.index_cast %scan3A_272 : i32 to index
          %swap3A_303 = arith.constant 48 : index
          %swap3A_304 = tpu.vector_load %arg9[%swap3A_302, %swap3A_303] {strides = array<i32>} : memref<128x104xf32, #tpu.memory_space<vmem>>, vector<1x16xf32>,
          %swap3A_305 = vector.shape_cast %swap3A_304 : vector<1x16xf32> to vector<16xf32>
          %swap3A_306 = vector.shape_cast %get3A_301 : vector<16xf32> to vector<1x16xf32>
          tpu.vector_store %arg9[%swap3A_302, %swap3A_303], %swap3A_306 {strides = array<i32>} : memref<128x104xf32, #tpu.memory_space<vmem>>, vector<1x16xf32>,
          %get3A_307 = arith.index_cast %scan3A_272 : i32 to index
          %get3A_308 = arith.constant 64 : index
          %get3A_309 = tpu.vector_load %arg7[%get3A_307, %get3A_308] {strides = array<i32>} : memref<128x128xf32, #tpu.memory_space<vmem>>, vector<1x16xf32>,
          %get3A_310 = vector.shape_cast %get3A_309 : vector<1x16xf32> to vector<16xf32>
          %swap3A_311 = arith.index_cast %scan3A_272 : i32 to index
          %swap3A_312 = arith.constant 64 : index
          %swap3A_313 = tpu.vector_load %arg9[%swap3A_311, %swap3A_312] {strides = array<i32>} : memref<128x104xf32, #tpu.memory_space<vmem>>, vector<1x16xf32>,
          %swap3A_314 = vector.shape_cast %swap3A_313 : vector<1x16xf32> to vector<16xf32>
          %swap3A_315 = vector.shape_cast %get3A_310 : vector<16xf32> to vector<1x16xf32>
          tpu.vector_store %arg9[%swap3A_311, %swap3A_312], %swap3A_315 {strides = array<i32>} : memref<128x104xf32, #tpu.memory_space<vmem>>, vector<1x16xf32>,
          %get3A_316 = arith.index_cast %scan3A_272 : i32 to index
          %get3A_317 = arith.constant 80 : index
          %get3A_318 = tpu.vector_load %arg7[%get3A_316, %get3A_317] {strides = array<i32>} : memref<128x128xf32, #tpu.memory_space<vmem>>, vector<1x16xf32>,
          %get3A_319 = vector.shape_cast %get3A_318 : vector<1x16xf32> to vector<16xf32>
          %swap3A_320 = arith.index_cast %scan3A_272 : i32 to index
          %swap3A_321 = arith.constant 80 : index
          %swap3A_322 = tpu.vector_load %arg9[%swap3A_320, %swap3A_321] {strides = array<i32>} : memref<128x104xf32, #tpu.memory_space<vmem>>, vector<1x16xf32>,
          %swap3A_323 = vector.shape_cast %swap3A_322 : vector<1x16xf32> to vector<16xf32>
          %swap3A_324 = vector.shape_cast %get3A_319 : vector<16xf32> to vector<1x16xf32>
          tpu.vector_store %arg9[%swap3A_320, %swap3A_321], %swap3A_324 {strides = array<i32>} : memref<128x104xf32, #tpu.memory_space<vmem>>, vector<1x16xf32>,
          %get3A_325 = arith.index_cast %scan3A_272 : i32 to index
          %get3A_326 = arith.constant 88 : index
          %get3A_327 = tpu.vector_load %arg7[%get3A_325, %get3A_326] {strides = array<i32>} : memref<128x128xf32, #tpu.memory_space<vmem>>, vector<1x16xf32>,
          %get3A_328 = vector.shape_cast %get3A_327 : vector<1x16xf32> to vector<16xf32>
          %swap3A_329 = arith.index_cast %scan3A_272 : i32 to index
          %swap3A_330 = arith.constant 88 : index
          %swap3A_331 = tpu.vector_load %arg9[%swap3A_329, %swap3A_330] {strides = array<i32>} : memref<128x104xf32, #tpu.memory_space<vmem>>, vector<1x16xf32>,
          %swap3A_332 = vector.shape_cast %swap3A_331 : vector<1x16xf32> to vector<16xf32>
          %swap3A_333 = vector.shape_cast %get3A_328 : vector<16xf32> to vector<1x16xf32>
          tpu.vector_store %arg9[%swap3A_329, %swap3A_330], %swap3A_333 {strides = array<i32>} : memref<128x104xf32, #tpu.memory_space<vmem>>, vector<1x16xf32>,
        }
        %scan3A_265 = arith.constant 128 : i32
        %dma_start3A_266 = arith.constant 896 : i32
        %dma_start3A_267 = tpu.memref_slice %arg4[%mul3A_2, %scan3A_28, %dma_start3A_266] : memref<4096x20x1000xf32, #tpu.memory_space<hbm>> -> memref<128x1x104xf32, #tpu.memory_space<hbm>>
        %dma_start3A_268 = tpu.memref_squeeze %dma_start3A_267 : memref<128x1x104xf32, #tpu.memory_space<hbm>> -> memref<128x104xf32, #tpu.memory_space<hbm>>
        %dma_start3A_269 = arith.constant 896 : i32
        %dma_start3A_270 = tpu.memref_slice %arg4[%mul3A_2, %scan3A_28, %dma_start3A_269] : memref<4096x20x1000xf32, #tpu.memory_space<hbm>> -> memref<128x1x104xf32, #tpu.memory_space<hbm>>
        %dma_start3A_271 = tpu.memref_squeeze %dma_start3A_270 : memref<128x1x104xf32, #tpu.memory_space<hbm>> -> memref<128x104xf32, #tpu.memory_space<hbm>>
        tpu.enqueue_dma source(%arg9 : memref<128x104xf32, #tpu.memory_space<vmem>>) target(%dma_start3A_271 : memref<128x104xf32, #tpu.memory_space<hbm>>) target_semaphore(%arg15 : memref<!tpu.dma_semaphore, #tpu.memory_space<semaphore_mem>>)
      } else {
      }
    }
    %scan3A_14 = arith.constant 20 : i32
    %dma_wait3A = arith.constant 18 : i32
    %dma_wait3A_15 = arith.constant 896 : i32
    %dma_wait3A_16 = tpu.memref_slice %arg4[%mul3A_2, %dma_wait3A, %dma_wait3A_15] : memref<4096x20x1000xf32, #tpu.memory_space<hbm>> -> memref<128x1x104xf32, #tpu.memory_space<hbm>>
    %dma_wait3A_17 = tpu.memref_squeeze %dma_wait3A_16 : memref<128x1x104xf32, #tpu.memory_space<hbm>> -> memref<128x104xf32, #tpu.memory_space<hbm>>
    %dma_wait3A_18 = arith.constant 896 : i32
    %dma_wait3A_19 = tpu.memref_slice %arg4[%mul3A_2, %dma_wait3A, %dma_wait3A_18] : memref<4096x20x1000xf32, #tpu.memory_space<hbm>> -> memref<128x1x104xf32, #tpu.memory_space<hbm>>
    %dma_wait3A_20 = tpu.memref_squeeze %dma_wait3A_19 : memref<128x1x104xf32, #tpu.memory_space<hbm>> -> memref<128x104xf32, #tpu.memory_space<hbm>>
    tpu.wait_dma2 semaphore(%arg14 : memref<!tpu.dma_semaphore, #tpu.memory_space<semaphore_mem>>) src(%arg8 : memref<128x104xf32, #tpu.memory_space<vmem>>) dst(%dma_wait3A_20 : memref<128x104xf32, #tpu.memory_space<hbm>>)
    %dma_wait3A_21 = arith.constant 19 : i32
    %dma_wait3A_22 = arith.constant 896 : i32
    %dma_wait3A_23 = tpu.memref_slice %arg4[%mul3A_2, %dma_wait3A_21, %dma_wait3A_22] : memref<4096x20x1000xf32, #tpu.memory_space<hbm>> -> memref<128x1x104xf32, #tpu.memory_space<hbm>>
    %dma_wait3A_24 = tpu.memref_squeeze %dma_wait3A_23 : memref<128x1x104xf32, #tpu.memory_space<hbm>> -> memref<128x104xf32, #tpu.memory_space<hbm>>
    %dma_wait3A_25 = arith.constant 896 : i32
    %dma_wait3A_26 = tpu.memref_slice %arg4[%mul3A_2, %dma_wait3A_21, %dma_wait3A_25] : memref<4096x20x1000xf32, #tpu.memory_space<hbm>> -> memref<128x1x104xf32, #tpu.memory_space<hbm>>
    %dma_wait3A_27 = tpu.memref_squeeze %dma_wait3A_26 : memref<128x1x104xf32, #tpu.memory_space<hbm>> -> memref<128x104xf32, #tpu.memory_space<hbm>>
    tpu.wait_dma2 semaphore(%arg15 : memref<!tpu.dma_semaphore, #tpu.memory_space<semaphore_mem>>) src(%arg9 : memref<128x104xf32, #tpu.memory_space<vmem>>) dst(%dma_wait3A_27 : memref<128x104xf32, #tpu.memory_space<hbm>>)
    return
  }
}

</mosaic_0001>

<sc_bundles>
// kernel: kernel.3.cloned.1.call-start
scs
__scs_entry_jumppad:
0x0: {  	(pc) =	sbr.rel $0x88, $3  }
0x1: {  	(tag) =	ssettag $0x0;
	lr =	simm.s32 $0x1  }
0x2: {  	[smem:$0x3F9F] =	sst lr;
	_ =	strace $0xD0000000  }
0x3: {  	_ = 	snop  }
0x4: {  	_ = 	snop  }
0x5: {  	_ = 	snop  }
0x6: {  	_ = 	snop  }
0x7: {  	_ = 	snop  }
__scs_overlays_trampoline_lowered:
0x8: {  	[smem:$0x3FAE] =	sst s0  }
0x9: {  	[smem:$0x3FAF] =	sst s1  }
0xa: {  	[smem:$0x3FB0] =	sst s2  }
0xb: {  	[smem:$0x3FB1] =	sst s3  }
0xc: {  	[smem:$0x3FB2] =	sst s4  }
0xd: {  	[smem:$0x3FB3] =	sst s5  }
0xe: {  	[smem:$0x3FB4] =	sst s6  }
0xf: {  	[smem:$0x3FB5] =	sst s7  }
0x10: {  	[smem:$0x3FB6] =	sst s8  }
0x11: {  	[smem:$0x3FB7] =	sst s9;
	s0 =	simm.s32 @!p0 $0x0  }
0x12: {  	s1 =	sld [smem:$0x3F9D];
	s0 =	simm.s32 @p0 $0x1  }
0x13: {  	[smem:$0x3FB8] =	sst s0;
	s0 =	simm.s32 @!p1 $0x0  }
0x14: {  	s2 =	sld [smem:$0x3F9C];
	s0 =	simm.s32 @p1 $0x1  }
0x15: {  	[smem:$0x3FB9] =	sst s0;
	s0 =	simm.s32 @!p2 $0x0  }
0x16: {  	s3 =	sld [smem:$0x3FDB];
	s0 =	simm.s32 @p2 $0x1  }
0x17: {  	s4 =	simm.s32 $0x1BF5;
	[smem:$0x3FBB] =	sst s0  }
0x18: {  	s0 =	sld [smem:$0x3F9E];
	_ =	swait.ge [sflag:s4], $0x0  }
0x19: {  	s7 =	sld [smem:$0x3F9F]  }
0x1a: {  	s8 =	sadd.s32 $0xFFFFE003, lr  }
0x1b: {  	s9 =	sadd.s32 $0xFFFFFEF7, lr;
	s5 =	simm.s32 $0xFFFFFFFF;
	p2 =	slt.u32 s8, $0xFFFFF086  }
0x1c: {  	p1 =	slt.u32 s9, $0xF7A;
	s5 =	simm.s32 @!p2 $0x0  }
0x1d: {  	s5 =	simm.s32 @p1 $0x1;
	p0 =	seq.s32 s7, s2  }
0x1e: {  	s7 =	smul.u32 @!p0 $0xF7A, s2;
	p2 =	seq.s32 @!p0 s5, $0x0  }
0x1f: {  	s9 =	smul.u32 $0xF7A, s1;
	s8 =	simm.s32 @!p0 $0x1BF5;
	p2 =	por !p2, p0  }
0x20: {  	[sflag:s8] =	ssyncset.s32 @!p0 $0xFFFFF086;
	s6 =	sadd.s32 @!p0 s3, s7;
	s7 =	simm.s32 @!p0 $0x108  }
0x21: {  	s3 =	sadd.s32 s3, s9;
	s6 =	sadd.s32 @!p0 $0x88, s6;
	s7 =	simm.s32 @p2 $0x1082  }
0x22: {  	[simem:s7], [sflag:s8] =	dma.local @!p0 [hbm:s6], $0xF7A  }
0x23: {  	s9 =	sor.u32 $0xD0000000, s2;
	s6 =	simm.s32 $0x108;
	_ =	swait.ge @!p0 [sflag:s8], $0x0  }
0x24: {  	s3 =	sadd.s32 $0x88, s3;
	s6 =	simm.s32 @!p1 $0x1082;
	[sflag:s4] =	ssyncset.s32 $0xFFFFF086  }
0x25: {  	[simem:s6], [sflag:s4] =	dma.local [hbm:s3], $0xF7A  }
0x26: {  	[smem:$0x3F9F] =	sst s1;
	(tag) =	ssettag s2;
	_ =	strace s9  }
0x27: {  	s1 =	sld [smem:$0x3FAF]  }
0x28: {  	s2 =	sld [smem:$0x3FB0]  }
0x29: {  	s4 =	sld [smem:$0x3FB2]  }
0x2a: {  	p0 =	seq.s32 s5, $0x0;
	s5 =	sld [smem:$0x3FB3]  }
0x2b: {  	s6 =	sld [smem:$0x3FB4]  }
0x2c: {  	s7 =	sld [smem:$0x3FB5]  }
0x2d: {  	s3 =	simm.s32 $0x108;
	s8 =	sld [smem:$0x3FB6]  }
0x2e: {  	s3 =	simm.s32 @!p0 $0x1082;
	s9 =	sld [smem:$0x3FB7]  }
0x2f: {  	lr =	sadd.s32 s0, s3;
	s0 =	sld [smem:$0x3FAE]  }
0x30: {  	s3 =	sld [smem:$0x3FB1]  }
0x31: {  	[smem:$0x3FBA] =	sst s10  }
0x32: {  	s10 =	sld [smem:$0x3FB8];
	_ =	sdelay $0x3  }
0x33: {  	p0 =	seq.s32 s10, $0x1;
	s10 =	sld [smem:$0x3FBA];
	_ =	sdelay $0x3  }
0x34: {  	[smem:$0x3FBA] =	sst s10  }
0x35: {  	s10 =	sld [smem:$0x3FB9];
	_ =	sdelay $0x3  }
0x36: {  	p1 =	seq.s32 s10, $0x1;
	s10 =	sld [smem:$0x3FBA];
	_ =	sdelay $0x3  }
0x37: {  	[smem:$0x3FBA] =	sst s10  }
0x38: {  	s10 =	sld [smem:$0x3FBB]  }
0x39: {  	_ = 	snop;
	(pc) =	sbr.ind lr, $3  }
0x3a: {  	_ = 	snop  }
0x3b: {  	_ = 	snop  }
0x3c: {  	p2 =	seq.s32 s10, $0x1;
	s10 =	sld [smem:$0x3FBA]  }
0x3d: {  	_ =	shalt  }
0x3e: {  	_ =	shalt  }
0x3f: {  	_ =	shalt  }
0x40: {  	_ =	shalt  }
0x41: {  	_ =	shalt  }
0x42: {  	_ =	shalt  }
0x43: {  	_ =	shalt  }
0x44: {  	_ =	shalt  }
0x45: {  	_ =	shalt  }
0x46: {  	_ =	shalt  }
0x47: {  	_ =	shalt  }
0x48: {  	_ =	shalt  }
0x49: {  	_ =	shalt  }
0x4a: {  	_ =	shalt  }
0x4b: {  	_ =	shalt  }
0x4c: {  	_ =	shalt  }
0x4d: {  	_ =	shalt  }
0x4e: {  	_ =	shalt  }
0x4f: {  	_ =	shalt  }
0x50: {  	_ =	shalt  }
0x51: {  	_ =	shalt  }
0x52: {  	_ =	shalt  }
0x53: {  	_ =	shalt  }
0x54: {  	_ =	shalt  }
0x55: {  	_ =	shalt  }
0x56: {  	_ =	shalt  }
0x57: {  	_ =	shalt  }
0x58: {  	_ =	shalt  }
0x59: {  	_ =	shalt  }
0x5a: {  	_ =	shalt  }
0x5b: {  	_ =	shalt  }
0x5c: {  	_ =	shalt  }
0x5d: {  	_ =	shalt  }
0x5e: {  	_ =	shalt  }
0x5f: {  	_ =	shalt  }
0x60: {  	_ =	shalt  }
0x61: {  	_ =	shalt  }
0x62: {  	_ =	shalt  }
0x63: {  	_ =	shalt  }
0x64: {  	_ =	shalt  }
0x65: {  	_ =	shalt  }
0x66: {  	_ =	shalt  }
0x67: {  	_ =	shalt  }
0x68: {  	_ =	shalt  }
0x69: {  	_ =	shalt  }
0x6a: {  	_ =	shalt  }
0x6b: {  	_ =	shalt  }
0x6c: {  	_ =	shalt  }
0x6d: {  	_ =	shalt  }
0x6e: {  	_ =	shalt  }
0x6f: {  	_ =	shalt  }
0x70: {  	_ =	shalt  }
0x71: {  	_ =	shalt  }
0x72: {  	_ =	shalt  }
0x73: {  	_ =	shalt  }
0x74: {  	_ =	shalt  }
0x75: {  	_ =	shalt  }
0x76: {  	_ =	shalt  }
0x77: {  	_ =	shalt  }
0x78: {  	_ =	shalt  }
0x79: {  	_ =	shalt  }
0x7a: {  	_ =	shalt  }
0x7b: {  	_ =	shalt  }
0x7c: {  	_ =	shalt  }
0x7d: {  	_ =	shalt  }
0x7e: {  	_ =	shalt  }
0x7f: {  	_ =	shalt  }
0x80: {  	_ =	shalt  }
0x81: {  	_ =	shalt  }
0x82: {  	_ =	shalt  }
0x83: {  	_ =	shalt  }
0x84: {  	_ =	shalt  }
0x85: {  	_ =	shalt  }
0x86: {  	_ =	shalt  }
0x87: {  	_ =	shalt  }
.Lfunc_end0:
.L_simem_size_0:
called_computation_lowered:
.L_overlay_start_0:
0x88: {  	s2 =	sld [smem:$0x3FD9]  }
0x89: {  	s3 =	sld [smem:$0x3FFE];
	_ =	sdelay $0x1  }
0x8a: {  	s1 =	srdreg.scid  }
0x8b: {  	s0 =	sand.u32 $0x1, s1  }
0x8c: {  	s17 =	sshll.u32 s0, $0xA;
	s2 =	sadd.s32 s3, s2  }
0x8d: {  	s2 =	sadd.s32 s2, s17  }
0x8e: {  	[smem:$0x3FC6] =	sst s2  }
0x8f: {  	_ = 	snop  }
0x90: {  	s2 =	sld [smem:$0x3FD0];
	(tm) =	ssettm $0x1  }
0x91: {  	s18 =	sld [smem:$0x3FFB];
	_ =	sdelay $0x3  }
0x92: {  	_ =	strace s18  }
0x93: {  	s3 =	sld [smem:$0x3FFC];
	_ =	sdelay $0x3  }
0x94: {  	_ =	strace s3  }
0x95: {  	s3 =	sld [smem:$0x3FFD];
	_ =	sdelay $0x3  }
0x96: {  	_ =	strace s3  }
0x97: {  	_ =	strace $0x8FFFFFFF  }
0x98: {  	s19 =	sld [smem:$0x3FDB];
	_ =	sdelay $0x1  }
0x99: {  	s4 =	simm.s32 $_scs_section_size  }
0x9a: {  	s5 =	simm.s32 $_size__tile_overlayer_lowered;
	s6 =	simm.s32 $_tile_overlayer_lowered  }
0x9b: {  	s22 =	simm.s32 $0x1BFF;
	s21 =	sshll.u32 s6, $0x1;
	s3 =	sadd.s32 s4, s19  }
0x9c: {  	s7 =	simm.s32 $0x0;
	s20 =	sshll.u32 s5, $0x1;
	s5 =	sadd.s32 s21, s3  }
0x9d: {  	[timem:s7], [sflag:s22] =	dma.local [hbm:s5], s20  }
0x9e: {  	_ =	swait.ge [sflag:s22], s20  }
0x9f: {  	s4 =	ssub.s32 $0x0, s20;
	[sflag:s22] =	ssyncset.done $0x0  }
0xa0: {  	[sflag:s22] =	ssyncadd.s32 s4;
	_ =	sdelay $0x1  }
0xa1: {  	s23 =	simm.s32 $0x1B8B  }
0xa2: {  	_ =	swait.ge [sflag:s23], $0x1  }
0xa3: {  	[sflag:s23] =	ssyncset.done $0x0  }
0xa4: {  	s25 =	simm.s32 $0x1B8E;
	s24 =	sld [smem:$0x3FFE];
	[sflag:s23] =	ssyncadd.s32 $0xFFFFFFFF  }
0xa5: {  	s26 =	simm.s32 $execute0_lowered;
	[smem:$0x3FD2] =	sst s25  }
0xa6: {  	s5 =	sshll.u32 s26, $0x1;
	_ =	strace $0x80000046;
	[dreg:$0x1] =	wrdreg $0xFFFFFFFF  }
0xa7: {  	s28 =	simm.s32 $_size_execute0_lowered;
	s3 =	sadd.s32 s3, s5;
	[dreg:$0x0] =	wrdreg $0x0  }
0xa8: {  	s5 =	sshll.u32 s28, $0x1;
	[dreg:$0x2] =	wrdreg s3  }
0xa9: {  	[dreg:$0x3] =	wrdreg s5  }
0xaa: {  	[dreg:$0x4] =	wrdreg $0xC0  }
0xab: {  	_ =	task [dreg:s7], $0x5FFFF  }
0xac: {  	[dreg:$0x1] =	wrdreg $0xFFFFFFFF  }
0xad: {  	[dreg:$0x0] =	wrdreg $0x60  }
0xae: {  	[dreg:$0x2] =	wrdreg s2  }
0xaf: {  	[dreg:$0x3] =	wrdreg s24  }
0xb0: {  	[dreg:$0x4] =	wrdreg $0x9  }
0xb1: {  	_ =	task.clear_ibuf [dreg:s7], $0x5FFFF;
	_ =	strace $0x90000046  }
0xb2: {  	s29 =	simm.s32 $0x9;
	_ =	strace $0x80000048  }
0xb3: {  	_ =	swait.ge [sflag:s29], $0x1  }
0xb4: {  	[sflag:s29] =	ssyncadd.s32 $0xFFFFFFFF  }
0xb5: {  	_ =	strace $0x90000048  }
0xb6: {  	_ =	sfence  }
0xb7: {  	s30 =	sld [smem:$0x0];
	_ =	sdelay $0x2  }
0xb8: {  	s31 =	sshll.u32 s1, $0xD;
	s1 =	sshrl.u32 s1, $0x2  }
0xb9: {  	s3 =	sand.u32 $0x4000, s31;
	s1 =	sadd.s32 s1, s30  }
0xba: {  	s0 =	sor.u32 s3, s0;
	s1 =	sshll.u32 s1, $0x11  }
0xbb: {  	s0 =	sor.u32 s1, s0  }
0xbc: {  	s0 =	sadd.s32 $0x8F2B, s0  }
0xbd: {  	[sflag:s0] =	ssyncadd.remote.s32 $0x1  }
0xbe: {  	_ =	sfence.sel $0xFFFF  }
0xbf: {  	[dreg:$0x0] =	wrdreg $0xFFFFFFFF;
	(pc) =	sbr.abs _section_cstart, $3  }
0xc0: {  	[dreg:$0x1] =	wrdreg $0xFFFFFFFF  }
0xc1: {  	_ =	task.clear_ibuf [dreg:s7], $0x2FFFF;
	_ =	strace $0x9FFFFFFF  }
0xc2: {  	(tm) =	ssettm $0x7FFFFFFF  }
0xc3: {  	_ =	shalt  }
tec
execute0_lowered:
.L_overlay_start_1:
0x0: {  	(tag) =	ssettag $0x1  }
0x1: {  	s0 =	srdreg.scid  }
0x2: {  	s1 =	stileid.u32;
	s2 =	rddreg [dreg:$0x0]  }
0x3: {  	s11 =	rddreg [dreg:$0x1];
	s3 =	simm.s32 $0x0;
	s13 =	simm.s32 $0x7  }
0x4: {  	s14 =	simm.s32 $0x80;
	s15 =	simm.s32 $0x5000;
	s16 =	simm.s32 $0x1  }
0x5: {  	s17 =	simm.s32 $0x6000;
	s18 =	simm.s32 $0x9000;
	s19 =	simm.s32 $0x2  }
0x6: {  	s20 =	simm.s32 $0x3;
	s21 =	simm.s32 $0x4;
	s22 =	simm.s32 $0x6  }
0x7: {  	s23 =	simm.s32 $0x11000;
	s24 =	simm.s32 $0x5;
	s25 =	simm.s32 $0xD000  }
0x8: {  	s26 =	simm.s32 $0x0;
	s0 =	sand.u32 $0x1, s0;
	s1 =	sshll.u32 s1, $0x1  }
0x9: {  	[smem:$0x7FF] =	sst s3;
	s7 =	sadd.s32 $0x14680, s11;
	s8 =	sadd.s32 $0x14700, s11  }
.Ltmp0:
0xa: {  	s1 =	sor.u32 s0, s1;
	s0 =	ssub.s32 $0x2, s0;
	(pc) =	sbr.rel .LBB2_1-.Ltmp0, $4  }
0xb: {  	s9 =	sadd.s32 $0x14800, s11;
	s4 =	smul.u32 $0xA00, s1;
	s6 =	sshrl.u32 s0, $0x1  }
0xc: {  	s10 =	sadd.s32 $0x14880, s11;
	_ =	strace $0x80000047;
	s0 =	ssub.s32 s0, s6  }
0xd: {  	s6 =	smul.u32 $0x300000, s1;
	s5 =	sadd.s32 s4, s11;
	s4 =	sadd.s32 $0x14600, s11  }
0xe: {  	s11 =	sadd.s32 $0x14900, s11;
	s12 =	smax.u32 s0, $0x1;
	s5 =	sadd.s32 $0x600, s5  }
.LBB2_13:
0xf: {  	s26 =	sadd.s32 $0x1, s26  }
0x10: {  	_ =	swait.ge [sflag:s24], $0x4000;
	p0 =	sne.s32 s26, s12  }
.Ltmp1:
0x11: {  	[sflag:s24] =	ssyncset.done $0x0;
	(pc) =	sbr.rel @!p0 .LBB2_14-.Ltmp1, $4  }
0x12: {  	[sflag:s24] =	ssyncadd.s32 $0xFFFFC000  }
0x13: {  	_ =	swait.ge [sflag:s22], $0x4000  }
0x14: {  	[sflag:s22] =	ssyncset.done $0x0  }
0x15: {  	[sflag:s22] =	ssyncadd.s32 $0xFFFFC000  }
.LBB2_1:
0x16: {  	[tilespmem:s3], [sflag:$0x7] =	stream.linear.gather [hbm4b:s5+s3], $0x5000, $0x38;
	[tilespmem:$0x15000] =	vst v63  }
.Ltmp2:
0x17: {  	_ = 	snop;
	(pc) =	sbr.rel .LBB2_2-.Ltmp2, $4  }
0x18: {  	_ =	swait.ge [sflag:s13], $0x5000  }
0x19: {  	[sflag:s13] =	ssyncset.done $0x0  }
0x1a: {  	s28 =	simm.s32 $0x0;
	[sflag:s13] =	ssyncadd.s32 $0xFFFFB000  }
0x1b: {  	[tilespmem:s15], [sflag:$0x1] =	stream.indirect.gather [hbm4b:s2+s14], $0x80, s3, s14, $0xb8;
	[tilespmem:$0x15000] =	vst v63  }
.LBB2_12:
0x1c: {  	s28 =	sadd.s32 $0x1, s28  }
0x1d: {  	p0 =	sne.s32 s28, $0x14  }
.Ltmp3:
0x1e: {  	_ = 	snop;
	(pc) =	sbr.rel @!p0 .LBB2_13-.Ltmp3, $1  }
0x1f: {  	_ =	sdelay $0x3  }
.LBB2_2:
0x20: {  	s30 =	sshll.u32 s28, $0xA  }
0x21: {  	s1 =	sshll.u32 s28, $0x7;
	s0 =	sand.u32 $0x6000, s30  }
0x22: {  	s29 =	sand.u32 $0x380, s1;
	s0 =	sor.u32 s6, s0  }
0x23: {  	_ =	swait.ge [sflag:s16], $0x4000;
	s29 =	sor.u32 s29, s0  }
0x24: {  	[sflag:s16] =	ssyncset.done $0x0;
	s31 =	sshrl.u32 s29, $0x3  }
0x25: {  	[sflag:s16] =	ssyncadd.s32 $0xFFFFC000;
	s29 =	sadd.s32 s4, s31  }
0x26: {  	[hbm4b:s29+s14] =	stream.strided.scatter [tilespmem:s15], [sflag:$0x3], $0x4000, s17, s14, $0x38;
	[tilespmem:$0x15000] =	vst v63  }
0x27: {  	s29 =	sor.u32 $0x80, s30  }
0x28: {  	[tilespmem:s18], [sflag:$0x2] =	stream.indirect.gather [hbm4b:s2+s14], $0x80, s29, s14, $0xb8;
	[tilespmem:$0x15000] =	vst v63  }
0x29: {  	_ =	swait.ge [sflag:s19], $0x4000  }
0x2a: {  	[sflag:s19] =	ssyncset.done $0x0  }
0x2b: {  	s29 =	sadd.s32 s31, s7;
	[sflag:s19] =	ssyncadd.s32 $0xFFFFC000  }
0x2c: {  	[hbm4b:s29+s14] =	stream.strided.scatter [tilespmem:s18], [sflag:$0x4], $0x4000, s17, s14, $0x38;
	[tilespmem:$0x15000] =	vst v63  }
0x2d: {  	_ =	swait.ge [sflag:s20], $0x4000  }
0x2e: {  	[sflag:s20] =	ssyncset.done $0x0  }
0x2f: {  	s29 =	sor.u32 $0x100, s30;
	[sflag:s20] =	ssyncadd.s32 $0xFFFFC000  }
0x30: {  	[tilespmem:s15], [sflag:$0x1] =	stream.indirect.gather [hbm4b:s2+s14], $0x80, s29, s14, $0xb8;
	[tilespmem:$0x15000] =	vst v63  }
0x31: {  	_ =	swait.ge [sflag:s16], $0x4000  }
0x32: {  	[sflag:s16] =	ssyncset.done $0x0  }
0x33: {  	s29 =	sadd.s32 s31, s8;
	[sflag:s16] =	ssyncadd.s32 $0xFFFFC000  }
0x34: {  	[hbm4b:s29+s14] =	stream.strided.scatter [tilespmem:s15], [sflag:$0x3], $0x4000, s17, s14, $0x38;
	[tilespmem:$0x15000] =	vst v63  }
0x35: {  	_ =	swait.ge [sflag:s21], $0x4000  }
0x36: {  	[sflag:s21] =	ssyncset.done $0x0  }
0x37: {  	s0 =	sor.u32 s1, s0;
	s29 =	sor.u32 $0x180, s30;
	[sflag:s21] =	ssyncadd.s32 $0xFFFFC000  }
0x38: {  	[tilespmem:s18], [sflag:$0x2] =	stream.indirect.gather [hbm4b:s2+s14], $0x80, s29, s14, $0xb8;
	[tilespmem:$0x15000] =	vst v63  }
0x39: {  	s29 =	sshrl.u32 s0, $0x3;
	_ =	swait.ge [sflag:s19], $0x4000  }
0x3a: {  	s0 =	sor.u32 $0x180, s29;
	[sflag:s19] =	ssyncset.done $0x0  }
0x3b: {  	s0 =	sadd.s32 s4, s0;
	[sflag:s19] =	ssyncadd.s32 $0xFFFFC000  }
0x3c: {  	[hbm4b:s0+s14] =	stream.strided.scatter [tilespmem:s18], [sflag:$0x4], $0x4000, s17, s14, $0x38;
	[tilespmem:$0x15000] =	vst v63  }
0x3d: {  	_ =	swait.ge [sflag:s20], $0x4000  }
0x3e: {  	[sflag:s20] =	ssyncset.done $0x0  }
0x3f: {  	s1 =	sor.u32 $0x200, s30;
	[sflag:s20] =	ssyncadd.s32 $0xFFFFC000  }
0x40: {  	[tilespmem:s15], [sflag:$0x1] =	stream.indirect.gather [hbm4b:s2+s14], $0x80, s1, s14, $0xb8;
	[tilespmem:$0x15000] =	vst v63  }
0x41: {  	_ =	swait.ge [sflag:s16], $0x4000  }
0x42: {  	[sflag:s16] =	ssyncset.done $0x0  }
0x43: {  	s1 =	sadd.s32 s31, s9;
	[sflag:s16] =	ssyncadd.s32 $0xFFFFC000  }
0x44: {  	[hbm4b:s1+s14] =	stream.strided.scatter [tilespmem:s15], [sflag:$0x3], $0x4000, s17, s14, $0x38;
	[tilespmem:$0x15000] =	vst v63  }
0x45: {  	_ =	swait.ge [sflag:s21], $0x4000  }
0x46: {  	[sflag:s21] =	ssyncset.done $0x0  }
0x47: {  	s1 =	sor.u32 $0x280, s30;
	[sflag:s21] =	ssyncadd.s32 $0xFFFFC000  }
0x48: {  	[tilespmem:s18], [sflag:$0x2] =	stream.indirect.gather [hbm4b:s2+s14], $0x80, s1, s14, $0xb8;
	[tilespmem:$0x15000] =	vst v63  }
0x49: {  	_ =	swait.ge [sflag:s19], $0x4000  }
0x4a: {  	[sflag:s19] =	ssyncset.done $0x0  }
0x4b: {  	s1 =	sadd.s32 s31, s10;
	[sflag:s19] =	ssyncadd.s32 $0xFFFFC000  }
0x4c: {  	[hbm4b:s1+s14] =	stream.strided.scatter [tilespmem:s18], [sflag:$0x4], $0x4000, s17, s14, $0x38;
	[tilespmem:$0x15000] =	vst v63  }
0x4d: {  	_ =	swait.ge [sflag:s20], $0x4000  }
0x4e: {  	[sflag:s20] =	ssyncset.done $0x0  }
0x4f: {  	s1 =	sor.u32 $0x300, s30;
	[sflag:s20] =	ssyncadd.s32 $0xFFFFC000  }
0x50: {  	[tilespmem:s15], [sflag:$0x1] =	stream.indirect.gather [hbm4b:s2+s14], $0x80, s1, s14, $0xb8;
	[tilespmem:$0x15000] =	vst v63  }
0x51: {  	_ =	swait.ge [sflag:s16], $0x4000  }
0x52: {  	[sflag:s16] =	ssyncset.done $0x0  }
0x53: {  	s1 =	sadd.s32 s31, s11;
	[sflag:s16] =	ssyncadd.s32 $0xFFFFC000  }
0x54: {  	[hbm4b:s1+s14] =	stream.strided.scatter [tilespmem:s15], [sflag:$0x3], $0x4000, s17, s14, $0x38;
	[tilespmem:$0x15000] =	vst v63  }
0x55: {  	_ =	swait.ge [sflag:s21], $0x4000  }
0x56: {  	[sflag:s21] =	ssyncset.done $0x0  }
0x57: {  	s31 =	sor.u32 $0x380, s30;
	[sflag:s21] =	ssyncadd.s32 $0xFFFFC000  }
0x58: {  	[tilespmem:s18], [sflag:$0x2] =	stream.indirect.gather [hbm4b:s2+s14], $0x80, s31, s14, $0xb8;
	[tilespmem:$0x15000] =	vst v63  }
0x59: {  	p0 =	seq.s32 s28, $0x13;
	_ =	swait.ge [sflag:s19], $0x4000  }
.Ltmp4:
0x5a: {  	[sflag:s19] =	ssyncset.done $0x0;
	(pc) =	sbr.rel @p0 .LBB2_8-.Ltmp4, $4  }
0x5b: {  	[sflag:s19] =	ssyncadd.s32 $0xFFFFC000  }
0x5c: {  	_ =	swait.ge [sflag:s20], $0x4000  }
0x5d: {  	[sflag:s20] =	ssyncset.done $0x0  }
0x5e: {  	[sflag:s20] =	ssyncadd.s32 $0xFFFFC000  }
0x5f: {  	s0 =	sand.u32 $0x3FFFFC00, s30;
	s30 =	sand.u32 $0x1, s28  }
0x60: {  	p0 =	seq.s32 s30, $0x1  }
.Ltmp5:
0x61: {  	_ = 	snop;
	(pc) =	sbr.rel @p0 .LBB2_7-.Ltmp5, $3  }
0x62: {  	_ =	sdelay $0x1  }
0x63: {  	s0 =	sadd.s32 $0x400, s0  }
0x64: {  	[tilespmem:s15], [sflag:$0x1] =	stream.indirect.gather [hbm4b:s2+s14], $0x80, s0, s14, $0xb8;
	[tilespmem:$0x15000] =	vst v63  }
0x65: {  	p0 =	slt.u32 s28, $0x2  }
0x66: {  	s0 =	simm.s32 @!p0 $0x5  }
0x67: {  	_ =	swait.ge @!p0 [sflag:s0], $0x4000  }
0x68: {  	[sflag:s0] =	ssyncset.done @!p0 $0x0  }
0x69: {  	s31 =	simm.s32 $0x0;
	[sflag:s0] =	ssyncadd.s32 @!p0 $0xFFFFC000  }
0x6a: {  	v3 =	vld [tilespmem:s31+$0x9050]  }
0x6b: {  	v4 =	vld [tilespmem:s31+$0x9058]  }
0x6c: {  	v5 =	vld [tilespmem:s31+$0x9000]  }
0x6d: {  	v2 =	vld [tilespmem:s31+$0x9010]  }
0x6e: {  	v0 =	vld [tilespmem:s31+$0x9020]  }
0x6f: {  	v1 =	vld [tilespmem:s31+$0x9030];
	[tilespmem:s31+$0xD050] =	vst v3  }
0x70: {  	s1 =	simm.s32 $0x80;
	v3 =	vld [tilespmem:s31+$0x9040];
	[tilespmem:s31+$0xD058] =	vst v4  }
0x71: {  	s0 =	simm.s32 $0x400;
	v4 =	vld [tilespmem:s1+$0x9050];
	[tilespmem:s31+$0xD000] =	vst v5  }
.LBB2_5:
0x72: {  	p0 =	sne.s32 s0, $0xFE00;
	v5 =	vld [tilespmem:s1+$0x9058];
	[tilespmem:s31+$0xD010] =	vst v2  }
0x73: {  	v6 =	vld [tilespmem:s1+$0x9000];
	[tilespmem:s31+$0xD020] =	vst v0  }
.Ltmp6:
0x74: {  	v2 =	vld [tilespmem:s1+$0x9010];
	[tilespmem:s31+$0xD030] =	vst v1;
	(pc) =	sbr.rel @p0 .LBB2_5-.Ltmp6, $4  }
0x75: {  	v0 =	vld [tilespmem:s1+$0x9020];
	[tilespmem:s31+$0xD040] =	vst v3;
	s31 =	smov.u32 s1  }
0x76: {  	v1 =	vld [tilespmem:s31+$0x9030];
	[tilespmem:s31+$0xD050] =	vst v4  }
0x77: {  	s1 =	sshra.s32 s0, $0x2;
	v3 =	vld [tilespmem:s31+$0x9040];
	[tilespmem:s31+$0xD058] =	vst v5  }
0x78: {  	s0 =	sadd.s32 $0x200, s0;
	v4 =	vld [tilespmem:s1+$0x9050];
	[tilespmem:s31+$0xD000] =	vst v6  }
0x79: {  	v5 =	vld [tilespmem:s1+$0x9058];
	[tilespmem:s31+$0xD010] =	vst v2  }
0x7a: {  	v2 =	vld [tilespmem:s1+$0x9000];
	[tilespmem:s31+$0xD020] =	vst v0  }
0x7b: {  	v0 =	vld [tilespmem:s1+$0x9010];
	[tilespmem:s31+$0xD030] =	vst v1  }
0x7c: {  	v1 =	vld [tilespmem:s1+$0x9020];
	[tilespmem:s31+$0xD040] =	vst v3  }
0x7d: {  	v3 =	vld [tilespmem:s1+$0x9030];
	[tilespmem:s1+$0xD050] =	vst v4  }
0x7e: {  	v63 =	vld [tilespmem:s1+$0x9040];
	[tilespmem:s1+$0xD058] =	vst v5  }
0x7f: {  	p0 =	seq.s32 s30, $0x0;
	[tilespmem:s1+$0xD000] =	vst v2  }
.Ltmp7:
0x80: {  	[tilespmem:s1+$0xD010] =	vst v0;
	(pc) =	sbr.rel @p0 .LBB2_12-.Ltmp7, $4  }
0x81: {  	[tilespmem:s1+$0xD020] =	vst v1  }
0x82: {  	s0 =	sor.u32 $0x380, s29;
	[tilespmem:s1+$0xD030] =	vst v3  }
0x83: {  	s0 =	sadd.s32 s4, s0;
	[tilespmem:s1+$0xD040] =	vst v63  }
0x84: {  	[hbm4b:s0+s14] =	stream.strided.scatter [tilespmem:s25], [sflag:$0x5], $0x4000, s17, s14, $0x38;
	[tilespmem:$0x15000] =	vst v63  }
.LBB2_7:
0x85: {  	p0 =	slt.u32 s28, $0x2  }
.Ltmp8:
0x86: {  	_ = 	snop;
	(pc) =	sbr.rel @p0 .LBB2_9-.Ltmp8, $1  }
0x87: {  	_ =	sdelay $0x3  }
.LBB2_8:
0x88: {  	_ =	swait.ge [sflag:s22], $0x4000  }
0x89: {  	[sflag:s22] =	ssyncset.done $0x0  }
0x8a: {  	[sflag:s22] =	ssyncadd.s32 $0xFFFFC000  }
.LBB2_9:
0x8b: {  	s30 =	simm.s32 $0x0  }
0x8c: {  	v3 =	vld [tilespmem:s30+$0x9050]  }
0x8d: {  	v4 =	vld [tilespmem:s30+$0x9058]  }
0x8e: {  	v5 =	vld [tilespmem:s30+$0x9000]  }
0x8f: {  	v2 =	vld [tilespmem:s30+$0x9010]  }
0x90: {  	v0 =	vld [tilespmem:s30+$0x9020]  }
0x91: {  	v1 =	vld [tilespmem:s30+$0x9030];
	[tilespmem:s30+$0x11050] =	vst v3  }
0x92: {  	s1 =	simm.s32 $0x80;
	v3 =	vld [tilespmem:s30+$0x9040];
	[tilespmem:s30+$0x11058] =	vst v4  }
0x93: {  	s0 =	simm.s32 $0x400;
	v4 =	vld [tilespmem:s1+$0x9050];
	[tilespmem:s30+$0x11000] =	vst v5  }
.LBB2_10:
0x94: {  	p0 =	sne.s32 s0, $0xFE00;
	v5 =	vld [tilespmem:s1+$0x9058];
	[tilespmem:s30+$0x11010] =	vst v2  }
0x95: {  	v6 =	vld [tilespmem:s1+$0x9000];
	[tilespmem:s30+$0x11020] =	vst v0  }
.Ltmp9:
0x96: {  	v2 =	vld [tilespmem:s1+$0x9010];
	[tilespmem:s30+$0x11030] =	vst v1;
	(pc) =	sbr.rel @p0 .LBB2_10-.Ltmp9, $4  }
0x97: {  	v0 =	vld [tilespmem:s1+$0x9020];
	[tilespmem:s30+$0x11040] =	vst v3;
	s30 =	smov.u32 s1  }
0x98: {  	v1 =	vld [tilespmem:s30+$0x9030];
	[tilespmem:s30+$0x11050] =	vst v4  }
0x99: {  	s1 =	sshra.s32 s0, $0x2;
	v3 =	vld [tilespmem:s30+$0x9040];
	[tilespmem:s30+$0x11058] =	vst v5  }
0x9a: {  	s0 =	sadd.s32 $0x200, s0;
	v4 =	vld [tilespmem:s1+$0x9050];
	[tilespmem:s30+$0x11000] =	vst v6  }
0x9b: {  	v5 =	vld [tilespmem:s1+$0x9058];
	[tilespmem:s30+$0x11010] =	vst v2  }
0x9c: {  	v2 =	vld [tilespmem:s1+$0x9000];
	[tilespmem:s30+$0x11020] =	vst v0  }
0x9d: {  	v0 =	vld [tilespmem:s1+$0x9010];
	[tilespmem:s30+$0x11030] =	vst v1  }
0x9e: {  	v1 =	vld [tilespmem:s1+$0x9020];
	[tilespmem:s30+$0x11040] =	vst v3  }
0x9f: {  	v3 =	vld [tilespmem:s1+$0x9030];
	[tilespmem:s1+$0x11050] =	vst v4  }
0xa0: {  	v63 =	vld [tilespmem:s1+$0x9040];
	[tilespmem:s1+$0x11058] =	vst v5  }
0xa1: {  	[tilespmem:s1+$0x11000] =	vst v2  }
.Ltmp10:
0xa2: {  	[tilespmem:s1+$0x11010] =	vst v0;
	(pc) =	sbr.rel .LBB2_12-.Ltmp10, $4  }
0xa3: {  	[tilespmem:s1+$0x11020] =	vst v1  }
0xa4: {  	s0 =	sor.u32 $0x380, s29;
	[tilespmem:s1+$0x11030] =	vst v3  }
0xa5: {  	s0 =	sadd.s32 s4, s0;
	[tilespmem:s1+$0x11040] =	vst v63  }
0xa6: {  	[hbm4b:s0+s14] =	stream.strided.scatter [tilespmem:s23], [sflag:$0x6], $0x4000, s17, s14, $0x38;
	[tilespmem:$0x15000] =	vst v63  }
.LBB2_14:
0xa7: {  	_ =	sfence.sel $0x180000  }
0xa8: {  	[bflag:$0x0] =	sbarrier.arrive $0xFFFF  }
0xa9: {  	_ =	strace $0x90000047  }
0xaa: {  	s0 =	stileid.u32;
	[bflag:$0x2] =	sbarrier.arrive $0xFFFF  }
0xab: {  	p0 =	sne.s32 s0, $0x0;
	s0 =	rddreg [dreg:$0x2]  }
0xac: {  	s0 =	sadd.s32 @!p0 $0x100000, s0  }
0xad: {  	[sflag:s0] =	ssyncadd.tile.s32 @!p0 $0x1;
	_ =	shalt  }
.Lfunc_end2:
_tile_overlayer_lowered:
.L_overlay_start_2:
0xae: {  	(tag) =	ssettag $0x2  }
0xaf: {  	s0 =	rddreg [dreg:$0x0];
	s2 =	stileid.u32  }
0xb0: {  	s1 =	rddreg [dreg:$0x1];
	p0 =	sne.s32 s2, $0x0  }
0xb1: {  	s3 =	rddreg [dreg:$0x2];
	[bflag:$0x3] =	sbarrier.arrive $0xFFFF;
	s2 =	simm.s32 @!p0 $0x1C07  }
0xb2: {  	[timem:s3], [sflag:s2] =	dma.local @!p0 [hbm:s0], s1  }
0xb3: {  	s0 =	simm.s32 @!p0 $0x7  }
0xb4: {  	_ =	swait.ge @!p0 [sflag:s0], s1  }
0xb5: {  	s1 =	ssub.s32 @!p0 $0x0, s1;
	[sflag:s0] =	ssyncset.done @!p0 $0x0  }
0xb6: {  	[sflag:s0] =	ssyncadd.s32 @!p0 s1  }
0xb7: {  	[bflag:$0x3] =	sbarrier.arrive $0xFFFF  }
0xb8: {  	_ =	shalt  }

</sc_bundles>
